<compile_context>
chip_gen: v7x
topology: tpu7x:2x2x1
jax: 0.10.2.dev20260603
libtpu: 0.0.44.dev20260713+nightly
codegen_flags: <defaults>
</compile_context>

<pallas_src>
import functools

import jax
import jax.numpy as jnp
from jax import lax
from jax.experimental import pallas as pl
from jax.experimental.pallas import tpu as pltpu
from jax.experimental.pallas import tpu_sc as plsc

B = 128
N = 32768
T = 2.0

_NC = 2
_NS = 16
_NW = _NC * _NS
_RPW = B // _NW
_L = 16
_UNROLL = 8
_CHUNK = _L * _UNROLL

_NEG = -3e38

_K = 16384
_N_TC = 5
_GRID = 8
_TILE = N // _GRID
_TILE5 = (N - _K) // _GRID


def _row_top2(rowbuf, parity, span):
    init = tuple(jnp.full((_L,), _NEG, jnp.float32) for _ in range(2 * _UNROLL))

    def body(j, accs):
        base = j * _CHUNK
        out = list(accs)
        for u in range(_UNROLL):
            v = rowbuf[parity, pl.ds(base + u * _L, _L)]
            m1 = accs[2 * u]
            m2 = accs[2 * u + 1]
            out[2 * u] = jnp.maximum(m1, v)
            out[2 * u + 1] = jnp.maximum(m2, jnp.minimum(m1, v))
        return tuple(out)

    accs = lax.fori_loop(0, span // _CHUNK, body, init, unroll=1)

    m1, m2 = accs[0], accs[1]
    for u in range(1, _UNROLL):
        a1, a2 = accs[2 * u], accs[2 * u + 1]
        m2 = jnp.maximum(jnp.maximum(m2, a2), jnp.minimum(m1, a1))
        m1 = jnp.maximum(m1, a1)

    g1 = jnp.max(m1)
    eq = m1 == g1
    ncnt = jnp.max(plsc.all_reduce_population_count(eq))
    rest = jnp.max(jnp.where(eq, jnp.float32(_NEG), m1))
    g2_unique = jnp.maximum(rest, jnp.max(m2))
    g2 = jnp.where(ncnt >= 2, g1, g2_unique)
    return g1, g2, m1


def _sc_body(a4, a5, a6, a7, tgt_hbm, out_mix, out_max,
             rowbuf, tgtbuf, stage, sem):
    tasks = [(5, a5, N), (6, a6, N), (7, a7, N), (4, a4, _K)]
    nt = len(tasks)
    wid = lax.axis_index("s") * _NC + lax.axis_index("c")
    row0 = wid * _RPW

    pltpu.sync_copy(tgt_hbm, tgtbuf)

    lanes = lax.iota(jnp.int32, _L)
    lmax = jnp.full((_L,), _NEG, jnp.float32)

    def dma(rr, i):
        _, ref, span = tasks[i]
        return pltpu.make_async_copy(ref.at[row0 + rr, pl.ds(0, span)],
                                     rowbuf.at[i % 2, pl.ds(0, span)], sem)

    dma(0, 0).start()

    def row_body(rr, lmax):
        tval = plsc.load_gather(tgtbuf,
                                [jnp.full((_L,), 0, jnp.int32) + (row0 + rr)])
        d = jnp.full((_L,), 0.0, jnp.float32)
        for i, (aid, _, span) in enumerate(tasks):
            if i + 1 < nt:
                dma(rr, i + 1).start()
            else:
                @pl.when(rr < _RPW - 1)
                def _prefetch():
                    dma(rr + 1, 0).start()
            dma(rr, i).wait()
            g1, g2, m1 = _row_top2(rowbuf, i % 2, span)
            tvi = jnp.minimum(tval, span - 1)
            tv = plsc.load_gather(
                rowbuf, [jnp.full((_L,), i % 2, jnp.int32), tvi])
            if aid < 7:
                lmax = jnp.maximum(lmax, m1)
            if span == N:
                margin = jnp.where(tv == g1, g1 - g2, jnp.float32(0.0))
                d = jnp.where(lanes == aid, margin, d)
            else:
                tv = jnp.where(tval < span, tv, jnp.float32(0.0))
                d = jnp.where(lanes == 8, g1, d)
                d = jnp.where(lanes == 9, g2, d)
                d = jnp.where(lanes == 10, tv, d)
        stage[0] = d
        pltpu.sync_copy(stage.at[0], out_mix.at[row0 + rr])
        return lmax

    lmax = lax.fori_loop(0, _RPW, row_body, lmax)

    stage[0] = lmax
    pltpu.sync_copy(stage.at[0], out_max.at[wid])


def _tc_body(t1, t2, t3, t4, t5, tgt, m1o, m2o, tvo, m1s, m2s, tvs):
    j = pl.program_id(0)

    @pl.when(j == 0)
    def _init():
        m1s[...] = jnp.full((B, 8), _NEG, jnp.float32)
        m2s[...] = jnp.full((B, 8), _NEG, jnp.float32)
        tvs[...] = jnp.zeros((B, 8), jnp.float32)

    def acc(a, x, ltgt, width):
        col = lax.broadcasted_iota(jnp.int32, (B, width), 1)
        m1_t = jnp.max(x, axis=1, keepdims=True)
        eq = x == m1_t
        cnt = jnp.sum(eq.astype(jnp.float32), axis=1, keepdims=True)
        m2c = jnp.max(jnp.where(eq, jnp.float32(_NEG), x), axis=1,
                      keepdims=True)
        m2_t = jnp.where(cnt >= 2.0, m1_t, m2c)
        tv_t = jnp.sum(jnp.where(col == ltgt, x, jnp.float32(0.0)),
                       axis=1, keepdims=True)
        o1 = m1s[:, a:a + 1]
        o2 = m2s[:, a:a + 1]
        m2s[:, a:a + 1] = jnp.maximum(jnp.maximum(o2, m2_t),
                                      jnp.minimum(o1, m1_t))
        m1s[:, a:a + 1] = jnp.maximum(o1, m1_t)
        tvs[:, a:a + 1] = tvs[:, a:a + 1] + tv_t

    tgtc = tgt[...]
    for a, tile in enumerate([t1, t2, t3, t4]):
        acc(a, tile[...], tgtc - j * _TILE, _TILE)
    acc(4, t5[...], tgtc - (_K + j * _TILE5), _TILE5)

    @pl.when(j == _GRID - 1)
    def _fin():
        m1o[...] = m1s[...]
        m2o[...] = m2s[...]
        tvo[...] = tvs[...]


def _combine_body(tc_m1, tc_m2, tc_tv, sc_mix, sc_lm, thr, gmax):
    cols = lax.broadcasted_iota(jnp.int32, (B, 8), 1)
    m1 = tc_m1[...]
    m2 = tc_m2[...]
    tv = tc_tv[...]
    mix = sc_mix[...]
    s1 = mix[:, 8:9]
    s2 = mix[:, 9:10]
    stv = mix[:, 10:11]
    c4 = cols == 4
    m2 = jnp.where(c4, jnp.maximum(jnp.maximum(m2, s2),
                                   jnp.minimum(m1, s1)), m2)
    m1 = jnp.where(c4, jnp.maximum(m1, s1), m1)
    tv = jnp.where(c4, tv + stv, tv)
    tc_marg = jnp.where(tv == m1, m1 - m2, jnp.float32(0.0))
    cm = jnp.where(cols < _N_TC, tc_marg, mix[:, :8])
    mx = jnp.max(cm, axis=1, keepdims=True)
    e = jnp.exp((cm - mx) * jnp.float32(1.0 / T))
    thr[...] = e / jnp.sum(e, axis=1, keepdims=True)
    g = jnp.maximum(jnp.max(m1), jnp.max(sc_lm[...]))
    gmax[...] = jnp.full((1, 1), g, jnp.float32)


@jax.jit
def _run(o1, o2, o3, o4, o5, o6, o7, mim, tgt):
    mesh = plsc.VectorSubcoreMesh(core_axis_name="c", subcore_axis_name="s")
    sc_fn = functools.partial(
        pl.kernel,
        mesh=mesh,
        compiler_params=pltpu.CompilerParams(needs_layout_passes=False),
        out_type=[
            jax.ShapeDtypeStruct((B, _L), jnp.float32),
            jax.ShapeDtypeStruct((_NW, _L), jnp.float32),
        ],
        scratch_types=[
            pltpu.VMEM((2, N), jnp.float32),
            pltpu.VMEM((B,), jnp.int32),
            pltpu.VMEM((1, _L), jnp.float32),
            pltpu.SemaphoreType.DMA,
        ],
    )(_sc_body)
    sc_mix, sc_lmax = sc_fn(o5, o6, o7, mim, tgt)

    blk = pl.BlockSpec((B, _TILE), lambda j: (0, j))
    blk5 = pl.BlockSpec((B, _TILE5), lambda j: (0, j + _K // _TILE5))
    tc_m1, tc_m2, tc_tv = pl.pallas_call(
        _tc_body,
        grid=(_GRID,),
        in_specs=[blk] * 4 + [blk5, pl.BlockSpec((B, 1), lambda j: (0, 0))],
        out_specs=[pl.BlockSpec((B, 8), lambda j: (0, 0))] * 3,
        out_shape=[jax.ShapeDtypeStruct((B, 8), jnp.float32)] * 3,
        scratch_shapes=[pltpu.VMEM((B, 8), jnp.float32)] * 3,
    )(o1, o2, o3, o4, o5, tgt.reshape(B, 1))

    thr, gmax = pl.pallas_call(
        _combine_body,
        in_specs=[
            pl.BlockSpec((B, 8), lambda: (0, 0)),
            pl.BlockSpec((B, 8), lambda: (0, 0)),
            pl.BlockSpec((B, 8), lambda: (0, 0)),
            pl.BlockSpec((B, _L), lambda: (0, 0)),
            pl.BlockSpec((_NW, _L), lambda: (0, 0)),
        ],
        out_specs=[
            pl.BlockSpec((B, 8), lambda: (0, 0)),
            pl.BlockSpec((1, 1), lambda: (0, 0)),
        ],
        out_shape=[
            jax.ShapeDtypeStruct((B, 8), jnp.float32),
            jax.ShapeDtypeStruct((1, 1), jnp.float32),
        ],
    )(tc_m1, tc_m2, tc_tv, sc_mix, sc_lmax)
    return thr, gmax


def kernel(outputs1, outputs2, outputs3, outputs4, outputs5, outputs6,
           outputs7, mimic, targets, n_test):
    del n_test
    thr, gmax = _run(outputs1, outputs2, outputs3, outputs4, outputs5,
                     outputs6, outputs7, mimic, targets.astype(jnp.int32))
    return gmax[0, 0], thr

# --- scband reference (transcript-rebuilt; emitter-appended) ---
"""Pipeline reference for scband-threshold-weights7-52699248721953 (READ-ONLY COPY).

The authoritative reference and input builder live on the scoring server;
editing this copy changes nothing except your own understanding.
"""

import jax, jax.numpy as jnp
import numpy as np

B = 128
N = 32768
T = 2.0


def setup_inputs(seed: int = 0) -> dict:
    key = jax.random.key(seed)
    ks = jax.random.split(key, 9)
    names = ["outputs1", "outputs2", "outputs3", "outputs4", "outputs5", "outputs6", "outputs7", "mimic"]
    d = {}
    for i, name in enumerate(names):
        d[name] = jax.random.normal(ks[i], (B, N), dtype=jnp.float32)
    d["targets"] = jax.random.randint(ks[8], (B,), 0, N, dtype=jnp.int64)
    d["n_test"] = B
    return d


def _margin(out, targets):
    # Per-row: sort descending; if the target logit is the max, margin = top1 - top2, else 0.
    top2 = jax.lax.top_k(out, 2)[0]  # [B, 2]
    tgt_val = jnp.take_along_axis(out, targets[:, None], axis=1)[:, 0]  # [B]
    return jnp.where(tgt_val == top2[:, 0], top2[:, 0] - top2[:, 1], jnp.zeros_like(top2[:, 0]))


def reference(outputs1, outputs2, outputs3, outputs4, outputs5, outputs6, outputs7, mimic, targets, n_test):
    # Vectorized over the batch (loop over i in the original; n_test == batch size).
    del n_test
    all_logits = [outputs1, outputs2, outputs3, outputs4, outputs5, outputs6, outputs7, mimic]
    ds = [_margin(o, targets) for o in all_logits]  # 8 x [B]
    preds = jnp.stack(ds, axis=1)  # [B, 8]; softmax over the 8 ensemble margins (dim=0 in per-sample torch code)
    out_threshold = jax.nn.softmax(preds / T, axis=1)
    max_preds = jnp.max(jnp.stack([outputs1, outputs2, outputs3, outputs4, outputs5, outputs6, outputs7], axis=0))
    return (max_preds, out_threshold)

if __name__ == "__main__":
    import jax
    _d = setup_inputs()
    print(jax.jit(kernel)(*tuple(_d.values())))

</pallas_src>

<mosaic_0001>
#map = affine_map<(d0, d1) -> (0, 0)>
#map1 = affine_map<(d0, d1) -> (0)>
module attributes {stable_mosaic.version = 14 : i64} {
  func.func @_sc_body(%arg0: i32, %arg1: i32, %arg2: memref<128x32768xf32, #tpu.memory_space<hbm>>, %arg3: memref<128x32768xf32, #tpu.memory_space<hbm>>, %arg4: memref<128x32768xf32, #tpu.memory_space<hbm>>, %arg5: memref<128x32768xf32, #tpu.memory_space<hbm>>, %arg6: memref<128xi32, #tpu.memory_space<hbm>>, %arg7: memref<128x16xf32, #tpu.memory_space<hbm>>, %arg8: memref<32x16xf32, #tpu.memory_space<hbm>>, %arg9: memref<2x32768xf32, #tpu.memory_space<vmem>>, %arg10: memref<128xi32, #tpu.memory_space<vmem>>, %arg11: memref<1x16xf32, #tpu.memory_space<vmem>>, %arg12: memref<!tpu.dma_semaphore, #tpu.memory_space<semaphore_mem>>) attributes {dimension_semantics = [#tpu.dimension_semantics<core_parallel>, #tpu.dimension_semantics<subcore_parallel>], iteration_bounds = array<i64: 2, 16>, scalar_prefetch = 0 : i64, scratch_operands = 4 : i64, tpu.core_type = #tpu.core_type<sc_vector_subcore>, window_params = [{transform_indices = #map}, {transform_indices = #map}, {transform_indices = #map}, {transform_indices = #map}, {transform_indices = #map1}, {transform_indices = #map}, {transform_indices = #map}]} {
    %mul3A = arith.constant 2 : i32
    %mul3A_0 = arith.muli %arg1, %mul3A : i32
    %add3A = arith.addi %mul3A_0, %arg0 : i32
    %mul3A_1 = arith.constant 4 : i32
    %mul3A_2 = arith.muli %add3A, %mul3A_1 : i32
    "tpu.region"() ({
      %run_scoped3A_26 = tpu.sem_alloc : memref<!tpu.dma_semaphore, #tpu.memory_space<semaphore_mem>>
      tpu.enqueue_dma source(%arg6 : memref<128xi32, #tpu.memory_space<hbm>>) target(%arg10 : memref<128xi32, #tpu.memory_space<vmem>>) target_semaphore(%run_scoped3A_26 : memref<!tpu.dma_semaphore, #tpu.memory_space<semaphore_mem>>)
      tpu.wait_dma2 semaphore(%run_scoped3A_26 : memref<!tpu.dma_semaphore, #tpu.memory_space<semaphore_mem>>) src(%arg6 : memref<128xi32, #tpu.memory_space<hbm>>) dst(%arg10 : memref<128xi32, #tpu.memory_space<vmem>>)
      tpu.yield
    }) : () -> ()
    %iota3A = tpu.iota {dimensions = array<i32: 0>} : vector<16xi32>
    %broadcast_in_dim3A = arith.constant -3.000000e+38 : f32
    %broadcast_in_dim3A_3 = vector.broadcast %broadcast_in_dim3A : f32 to vector<16xf32>
    %add3A_4 = arith.constant 0 : i32
    %add3A_5 = arith.addi %mul3A_2, %add3A_4 : i32
    %dma_start3A = arith.constant 0 : i32
    %dma_start3A_6 = arith.constant 0 : i32
    %dma_start3A_7 = tpu.memref_slice %arg9[%dma_start3A, %dma_start3A_6] : memref<2x32768xf32, #tpu.memory_space<vmem>> -> memref<1x32768xf32, #tpu.memory_space<vmem>>
    %dma_start3A_8 = tpu.memref_squeeze %dma_start3A_7 : memref<1x32768xf32, #tpu.memory_space<vmem>> -> memref<32768xf32, #tpu.memory_space<vmem>>
    %dma_start3A_9 = arith.constant 0 : i32
    %dma_start3A_10 = tpu.memref_slice %arg3[%add3A_5, %dma_start3A_9] : memref<128x32768xf32, #tpu.memory_space<hbm>> -> memref<1x32768xf32, #tpu.memory_space<hbm>>
    %dma_start3A_11 = tpu.memref_squeeze %dma_start3A_10 : memref<1x32768xf32, #tpu.memory_space<hbm>> -> memref<32768xf32, #tpu.memory_space<hbm>>
    %dma_start3A_12 = arith.constant 0 : i32
    %dma_start3A_13 = tpu.memref_slice %arg9[%dma_start3A, %dma_start3A_12] : memref<2x32768xf32, #tpu.memory_space<vmem>> -> memref<1x32768xf32, #tpu.memory_space<vmem>>
    %dma_start3A_14 = tpu.memref_squeeze %dma_start3A_13 : memref<1x32768xf32, #tpu.memory_space<vmem>> -> memref<32768xf32, #tpu.memory_space<vmem>>
    %dma_start3A_15 = arith.constant 0 : i32
    %dma_start3A_16 = tpu.memref_slice %arg3[%add3A_5, %dma_start3A_15] : memref<128x32768xf32, #tpu.memory_space<hbm>> -> memref<1x32768xf32, #tpu.memory_space<hbm>>
    %dma_start3A_17 = tpu.memref_squeeze %dma_start3A_16 : memref<1x32768xf32, #tpu.memory_space<hbm>> -> memref<32768xf32, #tpu.memory_space<hbm>>
    tpu.enqueue_dma source(%dma_start3A_17 : memref<32768xf32, #tpu.memory_space<hbm>>) target(%dma_start3A_14 : memref<32768xf32, #tpu.memory_space<vmem>>) target_semaphore(%arg12 : memref<!tpu.dma_semaphore, #tpu.memory_space<semaphore_mem>>)
    %scan3A = arith.constant 0 : i32
    %scan3A_18 = arith.constant 4 : i32
    %scan3A_19 = arith.addi %scan3A, %scan3A_18 : i32
    %scan3A_20 = arith.constant 1 : i32
    %scan3A_21 = scf.for %scan3A_26 = %scan3A to %scan3A_19 step %scan3A_20 iter_args(%scan3A_27 = %broadcast_in_dim3A_3) -> (vector<16xf32>)  : i32 {
      %broadcast_in_dim3A_28 = arith.constant 0 : i32
      %broadcast_in_dim3A_29 = vector.broadcast %broadcast_in_dim3A_28 : i32 to vector<16xi32>
      %add3A_30 = arith.addi %mul3A_2, %scan3A_26 : i32
      %add3A_31 = vector.broadcast %add3A_30 : i32 to vector<16xi32>
      %add3A_32 = arith.addi %broadcast_in_dim3A_29, %add3A_31 : vector<16xi32>
      %gather3A = tpu.vector_load_idx %arg10[%add3A_32] : memref<128xi32, #tpu.memory_space<vmem>>[vector<16xi32>], vector<16xi32>,
      %broadcast_in_dim3A_33 = arith.constant 0.000000e+00 : f32
      %broadcast_in_dim3A_34 = vector.broadcast %broadcast_in_dim3A_33 : f32 to vector<16xf32>
      %add3A_35 = arith.addi %mul3A_2, %scan3A_26 : i32
      %dma_start3A_36 = arith.constant 1 : i32
      %dma_start3A_37 = arith.constant 0 : i32
      %dma_start3A_38 = tpu.memref_slice %arg9[%dma_start3A_36, %dma_start3A_37] : memref<2x32768xf32, #tpu.memory_space<vmem>> -> memref<1x32768xf32, #tpu.memory_space<vmem>>
      %dma_start3A_39 = tpu.memref_squeeze %dma_start3A_38 : memref<1x32768xf32, #tpu.memory_space<vmem>> -> memref<32768xf32, #tpu.memory_space<vmem>>
      %dma_start3A_40 = arith.constant 0 : i32
      %dma_start3A_41 = tpu.memref_slice %arg4[%add3A_35, %dma_start3A_40] : memref<128x32768xf32, #tpu.memory_space<hbm>> -> memref<1x32768xf32, #tpu.memory_space<hbm>>
      %dma_start3A_42 = tpu.memref_squeeze %dma_start3A_41 : memref<1x32768xf32, #tpu.memory_space<hbm>> -> memref<32768xf32, #tpu.memory_space<hbm>>
      %dma_start3A_43 = arith.constant 0 : i32
      %dma_start3A_44 = tpu.memref_slice %arg9[%dma_start3A_36, %dma_start3A_43] : memref<2x32768xf32, #tpu.memory_space<vmem>> -> memref<1x32768xf32, #tpu.memory_space<vmem>>
      %dma_start3A_45 = tpu.memref_squeeze %dma_start3A_44 : memref<1x32768xf32, #tpu.memory_space<vmem>> -> memref<32768xf32, #tpu.memory_space<vmem>>
      %dma_start3A_46 = arith.constant 0 : i32
      %dma_start3A_47 = tpu.memref_slice %arg4[%add3A_35, %dma_start3A_46] : memref<128x32768xf32, #tpu.memory_space<hbm>> -> memref<1x32768xf32, #tpu.memory_space<hbm>>
      %dma_start3A_48 = tpu.memref_squeeze %dma_start3A_47 : memref<1x32768xf32, #tpu.memory_space<hbm>> -> memref<32768xf32, #tpu.memory_space<hbm>>
      tpu.enqueue_dma source(%dma_start3A_48 : memref<32768xf32, #tpu.memory_space<hbm>>) target(%dma_start3A_45 : memref<32768xf32, #tpu.memory_space<vmem>>) target_semaphore(%arg12 : memref<!tpu.dma_semaphore, #tpu.memory_space<semaphore_mem>>)
      %add3A_49 = arith.addi %mul3A_2, %scan3A_26 : i32
      %dma_wait3A = arith.constant 0 : i32
      %dma_wait3A_50 = arith.constant 0 : i32
      %dma_wait3A_51 = tpu.memref_slice %arg9[%dma_wait3A, %dma_wait3A_50] : memref<2x32768xf32, #tpu.memory_space<vmem>> -> memref<1x32768xf32, #tpu.memory_space<vmem>>
      %dma_wait3A_52 = tpu.memref_squeeze %dma_wait3A_51 : memref<1x32768xf32, #tpu.memory_space<vmem>> -> memref<32768xf32, #tpu.memory_space<vmem>>
      %dma_wait3A_53 = arith.constant 0 : i32
      %dma_wait3A_54 = tpu.memref_slice %arg3[%add3A_49, %dma_wait3A_53] : memref<128x32768xf32, #tpu.memory_space<hbm>> -> memref<1x32768xf32, #tpu.memory_space<hbm>>
      %dma_wait3A_55 = tpu.memref_squeeze %dma_wait3A_54 : memref<1x32768xf32, #tpu.memory_space<hbm>> -> memref<32768xf32, #tpu.memory_space<hbm>>
      %dma_wait3A_56 = arith.constant 0 : i32
      %dma_wait3A_57 = tpu.memref_slice %arg9[%dma_wait3A, %dma_wait3A_56] : memref<2x32768xf32, #tpu.memory_space<vmem>> -> memref<1x32768xf32, #tpu.memory_space<vmem>>
      %dma_wait3A_58 = tpu.memref_squeeze %dma_wait3A_57 : memref<1x32768xf32, #tpu.memory_space<vmem>> -> memref<32768xf32, #tpu.memory_space<vmem>>
      %dma_wait3A_59 = arith.constant 0 : i32
      %dma_wait3A_60 = tpu.memref_slice %arg3[%add3A_49, %dma_wait3A_59] : memref<128x32768xf32, #tpu.memory_space<hbm>> -> memref<1x32768xf32, #tpu.memory_space<hbm>>
      %dma_wait3A_61 = tpu.memref_squeeze %dma_wait3A_60 : memref<1x32768xf32, #tpu.memory_space<hbm>> -> memref<32768xf32, #tpu.memory_space<hbm>>
      tpu.wait_dma2 semaphore(%arg12 : memref<!tpu.dma_semaphore, #tpu.memory_space<semaphore_mem>>) src(%dma_wait3A_61 : memref<32768xf32, #tpu.memory_space<hbm>>) dst(%dma_wait3A_58 : memref<32768xf32, #tpu.memory_space<vmem>>)
      %broadcast_in_dim3A_62 = arith.constant -3.000000e+38 : f32
      %broadcast_in_dim3A_63 = vector.broadcast %broadcast_in_dim3A_62 : f32 to vector<16xf32>
      %broadcast_in_dim3A_64 = arith.constant -3.000000e+38 : f32
      %broadcast_in_dim3A_65 = vector.broadcast %broadcast_in_dim3A_64 : f32 to vector<16xf32>
      %broadcast_in_dim3A_66 = arith.constant -3.000000e+38 : f32
      %broadcast_in_dim3A_67 = vector.broadcast %broadcast_in_dim3A_66 : f32 to vector<16xf32>
      %broadcast_in_dim3A_68 = arith.constant -3.000000e+38 : f32
      %broadcast_in_dim3A_69 = vector.broadcast %broadcast_in_dim3A_68 : f32 to vector<16xf32>
      %broadcast_in_dim3A_70 = arith.constant -3.000000e+38 : f32
      %broadcast_in_dim3A_71 = vector.broadcast %broadcast_in_dim3A_70 : f32 to vector<16xf32>
      %broadcast_in_dim3A_72 = arith.constant -3.000000e+38 : f32
      %broadcast_in_dim3A_73 = vector.broadcast %broadcast_in_dim3A_72 : f32 to vector<16xf32>
      %broadcast_in_dim3A_74 = arith.constant -3.000000e+38 : f32
      %broadcast_in_dim3A_75 = vector.broadcast %broadcast_in_dim3A_74 : f32 to vector<16xf32>
      %broadcast_in_dim3A_76 = arith.constant -3.000000e+38 : f32
      %broadcast_in_dim3A_77 = vector.broadcast %broadcast_in_dim3A_76 : f32 to vector<16xf32>
      %broadcast_in_dim3A_78 = arith.constant -3.000000e+38 : f32
      %broadcast_in_dim3A_79 = vector.broadcast %broadcast_in_dim3A_78 : f32 to vector<16xf32>
      %broadcast_in_dim3A_80 = arith.constant -3.000000e+38 : f32
      %broadcast_in_dim3A_81 = vector.broadcast %broadcast_in_dim3A_80 : f32 to vector<16xf32>
      %broadcast_in_dim3A_82 = arith.constant -3.000000e+38 : f32
      %broadcast_in_dim3A_83 = vector.broadcast %broadcast_in_dim3A_82 : f32 to vector<16xf32>
      %broadcast_in_dim3A_84 = arith.constant -3.000000e+38 : f32
      %broadcast_in_dim3A_85 = vector.broadcast %broadcast_in_dim3A_84 : f32 to vector<16xf32>
      %broadcast_in_dim3A_86 = arith.constant -3.000000e+38 : f32
      %broadcast_in_dim3A_87 = vector.broadcast %broadcast_in_dim3A_86 : f32 to vector<16xf32>
      %broadcast_in_dim3A_88 = arith.constant -3.000000e+38 : f32
      %broadcast_in_dim3A_89 = vector.broadcast %broadcast_in_dim3A_88 : f32 to vector<16xf32>
      %broadcast_in_dim3A_90 = arith.constant -3.000000e+38 : f32
      %broadcast_in_dim3A_91 = vector.broadcast %broadcast_in_dim3A_90 : f32 to vector<16xf32>
      %broadcast_in_dim3A_92 = arith.constant -3.000000e+38 : f32
      %broadcast_in_dim3A_93 = vector.broadcast %broadcast_in_dim3A_92 : f32 to vector<16xf32>
      %scan3A_94 = arith.constant 0 : i32
      %scan3A_95 = arith.constant 256 : i32
      %scan3A_96 = arith.addi %scan3A_94, %scan3A_95 : i32
      %scan3A_97 = arith.constant 1 : i32
      %scan3A_98:16 = scf.for %scan3A_595 = %scan3A_94 to %scan3A_96 step %scan3A_97 iter_args(%scan3A_596 = %broadcast_in_dim3A_63, %scan3A_597 = %broadcast_in_dim3A_65, %scan3A_598 = %broadcast_in_dim3A_67, %scan3A_599 = %broadcast_in_dim3A_69, %scan3A_600 = %broadcast_in_dim3A_71, %scan3A_601 = %broadcast_in_dim3A_73, %scan3A_602 = %broadcast_in_dim3A_75, %scan3A_603 = %broadcast_in_dim3A_77, %scan3A_604 = %broadcast_in_dim3A_79, %scan3A_605 = %broadcast_in_dim3A_81, %scan3A_606 = %broadcast_in_dim3A_83, %scan3A_607 = %broadcast_in_dim3A_85, %scan3A_608 = %broadcast_in_dim3A_87, %scan3A_609 = %broadcast_in_dim3A_89, %scan3A_610 = %broadcast_in_dim3A_91, %scan3A_611 = %broadcast_in_dim3A_93) -> (vector<16xf32>, vector<16xf32>, vector<16xf32>, vector<16xf32>, vector<16xf32>, vector<16xf32>, vector<16xf32>, vector<16xf32>, vector<16xf32>, vector<16xf32>, vector<16xf32>, vector<16xf32>, vector<16xf32>, vector<16xf32>, vector<16xf32>, vector<16xf32>)  : i32 {
        %mul3A_612 = arith.constant 128 : i32
        %mul3A_613 = arith.muli %scan3A_595, %mul3A_612 : i32
        %add3A_614 = arith.constant 0 : i32
        %add3A_615 = arith.addi %mul3A_613, %add3A_614 : i32
        %get3A = arith.constant 0 : i32
        %get3A_616 = arith.index_cast %get3A : i32 to index
        %get3A_617 = arith.index_cast %add3A_615 : i32 to index
        %get3A_618 = tpu.vector_load %arg9[%get3A_616, %get3A_617] {strides = array<i32>} : memref<2x32768xf32, #tpu.memory_space<vmem>>, vector<16xf32>,
        %max3A_619 = arith.maximumf %scan3A_596, %get3A_618 : vector<16xf32>
        %min3A_620 = arith.minimumf %scan3A_596, %get3A_618 : vector<16xf32>
        %max3A_621 = arith.maximumf %scan3A_597, %min3A_620 : vector<16xf32>
        %add3A_622 = arith.constant 16 : i32
        %add3A_623 = arith.addi %mul3A_613, %add3A_622 : i32
        %get3A_624 = arith.constant 0 : i32
        %get3A_625 = arith.index_cast %get3A_624 : i32 to index
        %get3A_626 = arith.index_cast %add3A_623 : i32 to index
        %get3A_627 = tpu.vector_load %arg9[%get3A_625, %get3A_626] {strides = array<i32>} : memref<2x32768xf32, #tpu.memory_space<vmem>>, vector<16xf32>,
        %max3A_628 = arith.maximumf %scan3A_598, %get3A_627 : vector<16xf32>
        %min3A_629 = arith.minimumf %scan3A_598, %get3A_627 : vector<16xf32>
        %max3A_630 = arith.maximumf %scan3A_599, %min3A_629 : vector<16xf32>
        %add3A_631 = arith.constant 32 : i32
        %add3A_632 = arith.addi %mul3A_613, %add3A_631 : i32
        %get3A_633 = arith.constant 0 : i32
        %get3A_634 = arith.index_cast %get3A_633 : i32 to index
        %get3A_635 = arith.index_cast %add3A_632 : i32 to index
        %get3A_636 = tpu.vector_load %arg9[%get3A_634, %get3A_635] {strides = array<i32>} : memref<2x32768xf32, #tpu.memory_space<vmem>>, vector<16xf32>,
        %max3A_637 = arith.maximumf %scan3A_600, %get3A_636 : vector<16xf32>
        %min3A_638 = arith.minimumf %scan3A_600, %get3A_636 : vector<16xf32>
        %max3A_639 = arith.maximumf %scan3A_601, %min3A_638 : vector<16xf32>
        %add3A_640 = arith.constant 48 : i32
        %add3A_641 = arith.addi %mul3A_613, %add3A_640 : i32
        %get3A_642 = arith.constant 0 : i32
        %get3A_643 = arith.index_cast %get3A_642 : i32 to index
        %get3A_644 = arith.index_cast %add3A_641 : i32 to index
        %get3A_645 = tpu.vector_load %arg9[%get3A_643, %get3A_644] {strides = array<i32>} : memref<2x32768xf32, #tpu.memory_space<vmem>>, vector<16xf32>,
        %max3A_646 = arith.maximumf %scan3A_602, %get3A_645 : vector<16xf32>
        %min3A_647 = arith.minimumf %scan3A_602, %get3A_645 : vector<16xf32>
        %max3A_648 = arith.maximumf %scan3A_603, %min3A_647 : vector<16xf32>
        %add3A_649 = arith.constant 64 : i32
        %add3A_650 = arith.addi %mul3A_613, %add3A_649 : i32
        %get3A_651 = arith.constant 0 : i32
        %get3A_652 = arith.index_cast %get3A_651 : i32 to index
        %get3A_653 = arith.index_cast %add3A_650 : i32 to index
        %get3A_654 = tpu.vector_load %arg9[%get3A_652, %get3A_653] {strides = array<i32>} : memref<2x32768xf32, #tpu.memory_space<vmem>>, vector<16xf32>,
        %max3A_655 = arith.maximumf %scan3A_604, %get3A_654 : vector<16xf32>
        %min3A_656 = arith.minimumf %scan3A_604, %get3A_654 : vector<16xf32>
        %max3A_657 = arith.maximumf %scan3A_605, %min3A_656 : vector<16xf32>
        %add3A_658 = arith.constant 80 : i32
        %add3A_659 = arith.addi %mul3A_613, %add3A_658 : i32
        %get3A_660 = arith.constant 0 : i32
        %get3A_661 = arith.index_cast %get3A_660 : i32 to index
        %get3A_662 = arith.index_cast %add3A_659 : i32 to index
        %get3A_663 = tpu.vector_load %arg9[%get3A_661, %get3A_662] {strides = array<i32>} : memref<2x32768xf32, #tpu.memory_space<vmem>>, vector<16xf32>,
        %max3A_664 = arith.maximumf %scan3A_606, %get3A_663 : vector<16xf32>
        %min3A_665 = arith.minimumf %scan3A_606, %get3A_663 : vector<16xf32>
        %max3A_666 = arith.maximumf %scan3A_607, %min3A_665 : vector<16xf32>
        %add3A_667 = arith.constant 96 : i32
        %add3A_668 = arith.addi %mul3A_613, %add3A_667 : i32
        %get3A_669 = arith.constant 0 : i32
        %get3A_670 = arith.index_cast %get3A_669 : i32 to index
        %get3A_671 = arith.index_cast %add3A_668 : i32 to index
        %get3A_672 = tpu.vector_load %arg9[%get3A_670, %get3A_671] {strides = array<i32>} : memref<2x32768xf32, #tpu.memory_space<vmem>>, vector<16xf32>,
        %max3A_673 = arith.maximumf %scan3A_608, %get3A_672 : vector<16xf32>
        %min3A_674 = arith.minimumf %scan3A_608, %get3A_672 : vector<16xf32>
        %max3A_675 = arith.maximumf %scan3A_609, %min3A_674 : vector<16xf32>
        %add3A_676 = arith.constant 112 : i32
        %add3A_677 = arith.addi %mul3A_613, %add3A_676 : i32
        %get3A_678 = arith.constant 0 : i32
        %get3A_679 = arith.index_cast %get3A_678 : i32 to index
        %get3A_680 = arith.index_cast %add3A_677 : i32 to index
        %get3A_681 = tpu.vector_load %arg9[%get3A_679, %get3A_680] {strides = array<i32>} : memref<2x32768xf32, #tpu.memory_space<vmem>>, vector<16xf32>,
        %max3A_682 = arith.maximumf %scan3A_610, %get3A_681 : vector<16xf32>
        %min3A_683 = arith.minimumf %scan3A_610, %get3A_681 : vector<16xf32>
        %max3A_684 = arith.maximumf %scan3A_611, %min3A_683 : vector<16xf32>
        scf.yield %max3A_619, %max3A_621, %max3A_628, %max3A_630, %max3A_637, %max3A_639, %max3A_646, %max3A_648, %max3A_655, %max3A_657, %max3A_664, %max3A_666, %max3A_673, %max3A_675, %max3A_682, %max3A_684 : vector<16xf32>, vector<16xf32>, vector<16xf32>, vector<16xf32>, vector<16xf32>, vector<16xf32>, vector<16xf32>, vector<16xf32>, vector<16xf32>, vector<16xf32>, vector<16xf32>, vector<16xf32>, vector<16xf32>, vector<16xf32>, vector<16xf32>, vector<16xf32>
      }
      %scan3A_99 = arith.constant 256 : i32
      %max3A = arith.maximumf %scan3A_98#1, %scan3A_98#3 : vector<16xf32>
      %min3A = arith.minimumf %scan3A_98#0, %scan3A_98#2 : vector<16xf32>
      %max3A_100 = arith.maximumf %max3A, %min3A : vector<16xf32>
      %max3A_101 = arith.maximumf %scan3A_98#0, %scan3A_98#2 : vector<16xf32>
      %max3A_102 = arith.maximumf %max3A_100, %scan3A_98#5 : vector<16xf32>
      %min3A_103 = arith.minimumf %max3A_101, %scan3A_98#4 : vector<16xf32>
      %max3A_104 = arith.maximumf %max3A_102, %min3A_103 : vector<16xf32>
      %max3A_105 = arith.maximumf %max3A_101, %scan3A_98#4 : vector<16xf32>
      %max3A_106 = arith.maximumf %max3A_104, %scan3A_98#7 : vector<16xf32>
      %min3A_107 = arith.minimumf %max3A_105, %scan3A_98#6 : vector<16xf32>
      %max3A_108 = arith.maximumf %max3A_106, %min3A_107 : vector<16xf32>
      %max3A_109 = arith.maximumf %max3A_105, %scan3A_98#6 : vector<16xf32>
      %max3A_110 = arith.maximumf %max3A_108, %scan3A_98#9 : vector<16xf32>
      %min3A_111 = arith.minimumf %max3A_109, %scan3A_98#8 : vector<16xf32>
      %max3A_112 = arith.maximumf %max3A_110, %min3A_111 : vector<16xf32>
      %max3A_113 = arith.maximumf %max3A_109, %scan3A_98#8 : vector<16xf32>
      %max3A_114 = arith.maximumf %max3A_112, %scan3A_98#11 : vector<16xf32>
      %min3A_115 = arith.minimumf %max3A_113, %scan3A_98#10 : vector<16xf32>
      %max3A_116 = arith.maximumf %max3A_114, %min3A_115 : vector<16xf32>
      %max3A_117 = arith.maximumf %max3A_113, %scan3A_98#10 : vector<16xf32>
      %max3A_118 = arith.maximumf %max3A_116, %scan3A_98#13 : vector<16xf32>
      %min3A_119 = arith.minimumf %max3A_117, %scan3A_98#12 : vector<16xf32>
      %max3A_120 = arith.maximumf %max3A_118, %min3A_119 : vector<16xf32>
      %max3A_121 = arith.maximumf %max3A_117, %scan3A_98#12 : vector<16xf32>
      %max3A_122 = arith.maximumf %max3A_120, %scan3A_98#15 : vector<16xf32>
      %min3A_123 = arith.minimumf %max3A_121, %scan3A_98#14 : vector<16xf32>
      %max3A_124 = arith.maximumf %max3A_122, %min3A_123 : vector<16xf32>
      %max3A_125 = arith.maximumf %max3A_121, %scan3A_98#14 : vector<16xf32>
      %reduce_max3A = arith.constant true
      %reduce_max3A_126 = vector.broadcast %reduce_max3A : i1 to vector<16xi1>
      %reduce_max3A_127 = tpu.scan <max>, %max3A_125 masked %reduce_max3A_126 : vector<16xf32>, vector<16xi1> -> vector<16xf32>
      %reduce_max3A_128 = vector.extract %reduce_max3A_127[15] : f32 from vector<16xf32>
      %eq3A = vector.broadcast %reduce_max3A_128 : f32 to vector<16xf32>
      %eq3A_129 = arith.cmpf oeq, %max3A_125, %eq3A : vector<16xf32>
      %all_reduce_population_count3A = tpu.all_reduce %eq3A_129 {dim = 0 : i64, kind = #tpu.reduction_kind<sum>} : vector<16xi1> -> vector<16xi32>
      %reduce_max3A_130 = arith.constant true
      %reduce_max3A_131 = vector.broadcast %reduce_max3A_130 : i1 to vector<16xi1>
      %reduce_max3A_132 = arith.constant -2147483648 : i32
      %reduce_max3A_133 = vector.broadcast %reduce_max3A_132 : i32 to vector<16xi32>
      %reduce_max3A_134 = arith.xori %all_reduce_population_count3A, %reduce_max3A_133 : vector<16xi32>
      %reduce_max3A_135 = tpu.scan <max>, %reduce_max3A_134 masked %reduce_max3A_131 : vector<16xi32>, vector<16xi1> -> vector<16xi32>
      %reduce_max3A_136 = arith.xori %reduce_max3A_135, %reduce_max3A_133 : vector<16xi32>
      %reduce_max3A_137 = vector.extract %reduce_max3A_136[15] : i32 from vector<16xi32>
      %jit3A = arith.constant -3.000000e+38 : f32
      %broadcast_in_dim3A_138 = vector.broadcast %jit3A : f32 to vector<16xf32>
      %select_n3A = arith.select %eq3A_129, %broadcast_in_dim3A_138, %max3A_125 : vector<16xi1>, vector<16xf32>
      %reduce_max3A_139 = arith.constant true
      %reduce_max3A_140 = vector.broadcast %reduce_max3A_139 : i1 to vector<16xi1>
      %reduce_max3A_141 = tpu.scan <max>, %select_n3A masked %reduce_max3A_140 : vector<16xf32>, vector<16xi1> -> vector<16xf32>
      %reduce_max3A_142 = vector.extract %reduce_max3A_141[15] : f32 from vector<16xf32>
      %reduce_max3A_143 = arith.constant true
      %reduce_max3A_144 = vector.broadcast %reduce_max3A_143 : i1 to vector<16xi1>
      %reduce_max3A_145 = tpu.scan <max>, %max3A_124 masked %reduce_max3A_144 : vector<16xf32>, vector<16xi1> -> vector<16xf32>
      %reduce_max3A_146 = vector.extract %reduce_max3A_145[15] : f32 from vector<16xf32>
      %max3A_147 = arith.maximumf %reduce_max3A_142, %reduce_max3A_146 : f32
      %ge3A = arith.constant 2 : i32
      %ge3A_148 = arith.cmpi sge, %reduce_max3A_137, %ge3A : i32
      %select_n3A_149 = arith.select %ge3A_148, %reduce_max3A_128, %max3A_147 : f32
      %min3A_150 = arith.constant 32767 : i32
      %min3A_151 = vector.broadcast %min3A_150 : i32 to vector<16xi32>
      %min3A_152 = arith.minsi %gather3A, %min3A_151 : vector<16xi32>
      %broadcast_in_dim3A_153 = arith.constant 0 : i32
      %broadcast_in_dim3A_154 = vector.broadcast %broadcast_in_dim3A_153 : i32 to vector<16xi32>
      %gather3A_155 = tpu.vector_load_idx %arg9[%broadcast_in_dim3A_154, %min3A_152] : memref<2x32768xf32, #tpu.memory_space<vmem>>[vector<16xi32>, vector<16xi32>], vector<16xf32>,
      %max3A_156 = arith.maximumf %scan3A_27, %max3A_125 : vector<16xf32>
      %eq3A_157 = vector.broadcast %reduce_max3A_128 : f32 to vector<16xf32>
      %eq3A_158 = arith.cmpf oeq, %gather3A_155, %eq3A_157 : vector<16xf32>
      %sub3A = arith.subf %reduce_max3A_128, %select_n3A_149 : f32
      %jit3A_159 = arith.constant 0.000000e+00 : f32
      %broadcast_in_dim3A_160 = vector.broadcast %sub3A : f32 to vector<16xf32>
      %broadcast_in_dim3A_161 = vector.broadcast %jit3A_159 : f32 to vector<16xf32>
      %select_n3A_162 = arith.select %eq3A_158, %broadcast_in_dim3A_160, %broadcast_in_dim3A_161 : vector<16xi1>, vector<16xf32>
      %eq3A_163 = arith.constant 5 : i32
      %eq3A_164 = vector.broadcast %eq3A_163 : i32 to vector<16xi32>
      %eq3A_165 = arith.cmpi eq, %iota3A, %eq3A_164 : vector<16xi32>
      %select_n3A_166 = arith.select %eq3A_165, %select_n3A_162, %broadcast_in_dim3A_34 : vector<16xi1>, vector<16xf32>
      %add3A_167 = arith.addi %mul3A_2, %scan3A_26 : i32
      %dma_start3A_168 = arith.constant 0 : i32
      %dma_start3A_169 = arith.constant 0 : i32
      %dma_start3A_170 = tpu.memref_slice %arg9[%dma_start3A_168, %dma_start3A_169] : memref<2x32768xf32, #tpu.memory_space<vmem>> -> memref<1x32768xf32, #tpu.memory_space<vmem>>
      %dma_start3A_171 = tpu.memref_squeeze %dma_start3A_170 : memref<1x32768xf32, #tpu.memory_space<vmem>> -> memref<32768xf32, #tpu.memory_space<vmem>>
      %dma_start3A_172 = arith.constant 0 : i32
      %dma_start3A_173 = tpu.memref_slice %arg5[%add3A_167, %dma_start3A_172] : memref<128x32768xf32, #tpu.memory_space<hbm>> -> memref<1x32768xf32, #tpu.memory_space<hbm>>
      %dma_start3A_174 = tpu.memref_squeeze %dma_start3A_173 : memref<1x32768xf32, #tpu.memory_space<hbm>> -> memref<32768xf32, #tpu.memory_space<hbm>>
      %dma_start3A_175 = arith.constant 0 : i32
      %dma_start3A_176 = tpu.memref_slice %arg9[%dma_start3A_168, %dma_start3A_175] : memref<2x32768xf32, #tpu.memory_space<vmem>> -> memref<1x32768xf32, #tpu.memory_space<vmem>>
      %dma_start3A_177 = tpu.memref_squeeze %dma_start3A_176 : memref<1x32768xf32, #tpu.memory_space<vmem>> -> memref<32768xf32, #tpu.memory_space<vmem>>
      %dma_start3A_178 = arith.constant 0 : i32
      %dma_start3A_179 = tpu.memref_slice %arg5[%add3A_167, %dma_start3A_178] : memref<128x32768xf32, #tpu.memory_space<hbm>> -> memref<1x32768xf32, #tpu.memory_space<hbm>>
      %dma_start3A_180 = tpu.memref_squeeze %dma_start3A_179 : memref<1x32768xf32, #tpu.memory_space<hbm>> -> memref<32768xf32, #tpu.memory_space<hbm>>
      tpu.enqueue_dma source(%dma_start3A_180 : memref<32768xf32, #tpu.memory_space<hbm>>) target(%dma_start3A_177 : memref<32768xf32, #tpu.memory_space<vmem>>) target_semaphore(%arg12 : memref<!tpu.dma_semaphore, #tpu.memory_space<semaphore_mem>>)
      %add3A_181 = arith.addi %mul3A_2, %scan3A_26 : i32
      %dma_wait3A_182 = arith.constant 1 : i32
      %dma_wait3A_183 = arith.constant 0 : i32
      %dma_wait3A_184 = tpu.memref_slice %arg9[%dma_wait3A_182, %dma_wait3A_183] : memref<2x32768xf32, #tpu.memory_space<vmem>> -> memref<1x32768xf32, #tpu.memory_space<vmem>>
      %dma_wait3A_185 = tpu.memref_squeeze %dma_wait3A_184 : memref<1x32768xf32, #tpu.memory_space<vmem>> -> memref<32768xf32, #tpu.memory_space<vmem>>
      %dma_wait3A_186 = arith.constant 0 : i32
      %dma_wait3A_187 = tpu.memref_slice %arg4[%add3A_181, %dma_wait3A_186] : memref<128x32768xf32, #tpu.memory_space<hbm>> -> memref<1x32768xf32, #tpu.memory_space<hbm>>
      %dma_wait3A_188 = tpu.memref_squeeze %dma_wait3A_187 : memref<1x32768xf32, #tpu.memory_space<hbm>> -> memref<32768xf32, #tpu.memory_space<hbm>>
      %dma_wait3A_189 = arith.constant 0 : i32
      %dma_wait3A_190 = tpu.memref_slice %arg9[%dma_wait3A_182, %dma_wait3A_189] : memref<2x32768xf32, #tpu.memory_space<vmem>> -> memref<1x32768xf32, #tpu.memory_space<vmem>>
      %dma_wait3A_191 = tpu.memref_squeeze %dma_wait3A_190 : memref<1x32768xf32, #tpu.memory_space<vmem>> -> memref<32768xf32, #tpu.memory_space<vmem>>
      %dma_wait3A_192 = arith.constant 0 : i32
      %dma_wait3A_193 = tpu.memref_slice %arg4[%add3A_181, %dma_wait3A_192] : memref<128x32768xf32, #tpu.memory_space<hbm>> -> memref<1x32768xf32, #tpu.memory_space<hbm>>
      %dma_wait3A_194 = tpu.memref_squeeze %dma_wait3A_193 : memref<1x32768xf32, #tpu.memory_space<hbm>> -> memref<32768xf32, #tpu.memory_space<hbm>>
      tpu.wait_dma2 semaphore(%arg12 : memref<!tpu.dma_semaphore, #tpu.memory_space<semaphore_mem>>) src(%dma_wait3A_194 : memref<32768xf32, #tpu.memory_space<hbm>>) dst(%dma_wait3A_191 : memref<32768xf32, #tpu.memory_space<vmem>>)
      %broadcast_in_dim3A_195 = arith.constant -3.000000e+38 : f32
      %broadcast_in_dim3A_196 = vector.broadcast %broadcast_in_dim3A_195 : f32 to vector<16xf32>
      %broadcast_in_dim3A_197 = arith.constant -3.000000e+38 : f32
      %broadcast_in_dim3A_198 = vector.broadcast %broadcast_in_dim3A_197 : f32 to vector<16xf32>
      %broadcast_in_dim3A_199 = arith.constant -3.000000e+38 : f32
      %broadcast_in_dim3A_200 = vector.broadcast %broadcast_in_dim3A_199 : f32 to vector<16xf32>
      %broadcast_in_dim3A_201 = arith.constant -3.000000e+38 : f32
      %broadcast_in_dim3A_202 = vector.broadcast %broadcast_in_dim3A_201 : f32 to vector<16xf32>
      %broadcast_in_dim3A_203 = arith.constant -3.000000e+38 : f32
      %broadcast_in_dim3A_204 = vector.broadcast %broadcast_in_dim3A_203 : f32 to vector<16xf32>
      %broadcast_in_dim3A_205 = arith.constant -3.000000e+38 : f32
      %broadcast_in_dim3A_206 = vector.broadcast %broadcast_in_dim3A_205 : f32 to vector<16xf32>
      %broadcast_in_dim3A_207 = arith.constant -3.000000e+38 : f32
      %broadcast_in_dim3A_208 = vector.broadcast %broadcast_in_dim3A_207 : f32 to vector<16xf32>
      %broadcast_in_dim3A_209 = arith.constant -3.000000e+38 : f32
      %broadcast_in_dim3A_210 = vector.broadcast %broadcast_in_dim3A_209 : f32 to vector<16xf32>
      %broadcast_in_dim3A_211 = arith.constant -3.000000e+38 : f32
      %broadcast_in_dim3A_212 = vector.broadcast %broadcast_in_dim3A_211 : f32 to vector<16xf32>
      %broadcast_in_dim3A_213 = arith.constant -3.000000e+38 : f32
      %broadcast_in_dim3A_214 = vector.broadcast %broadcast_in_dim3A_213 : f32 to vector<16xf32>
      %broadcast_in_dim3A_215 = arith.constant -3.000000e+38 : f32
      %broadcast_in_dim3A_216 = vector.broadcast %broadcast_in_dim3A_215 : f32 to vector<16xf32>
      %broadcast_in_dim3A_217 = arith.constant -3.000000e+38 : f32
      %broadcast_in_dim3A_218 = vector.broadcast %broadcast_in_dim3A_217 : f32 to vector<16xf32>
      %broadcast_in_dim3A_219 = arith.constant -3.000000e+38 : f32
      %broadcast_in_dim3A_220 = vector.broadcast %broadcast_in_dim3A_219 : f32 to vector<16xf32>
      %broadcast_in_dim3A_221 = arith.constant -3.000000e+38 : f32
      %broadcast_in_dim3A_222 = vector.broadcast %broadcast_in_dim3A_221 : f32 to vector<16xf32>
      %broadcast_in_dim3A_223 = arith.constant -3.000000e+38 : f32
      %broadcast_in_dim3A_224 = vector.broadcast %broadcast_in_dim3A_223 : f32 to vector<16xf32>
      %broadcast_in_dim3A_225 = arith.constant -3.000000e+38 : f32
      %broadcast_in_dim3A_226 = vector.broadcast %broadcast_in_dim3A_225 : f32 to vector<16xf32>
      %scan3A_227 = arith.constant 0 : i32
      %scan3A_228 = arith.constant 256 : i32
      %scan3A_229 = arith.addi %scan3A_227, %scan3A_228 : i32
      %scan3A_230 = arith.constant 1 : i32
      %scan3A_231:16 = scf.for %scan3A_595 = %scan3A_227 to %scan3A_229 step %scan3A_230 iter_args(%scan3A_596 = %broadcast_in_dim3A_196, %scan3A_597 = %broadcast_in_dim3A_198, %scan3A_598 = %broadcast_in_dim3A_200, %scan3A_599 = %broadcast_in_dim3A_202, %scan3A_600 = %broadcast_in_dim3A_204, %scan3A_601 = %broadcast_in_dim3A_206, %scan3A_602 = %broadcast_in_dim3A_208, %scan3A_603 = %broadcast_in_dim3A_210, %scan3A_604 = %broadcast_in_dim3A_212, %scan3A_605 = %broadcast_in_dim3A_214, %scan3A_606 = %broadcast_in_dim3A_216, %scan3A_607 = %broadcast_in_dim3A_218, %scan3A_608 = %broadcast_in_dim3A_220, %scan3A_609 = %broadcast_in_dim3A_222, %scan3A_610 = %broadcast_in_dim3A_224, %scan3A_611 = %broadcast_in_dim3A_226) -> (vector<16xf32>, vector<16xf32>, vector<16xf32>, vector<16xf32>, vector<16xf32>, vector<16xf32>, vector<16xf32>, vector<16xf32>, vector<16xf32>, vector<16xf32>, vector<16xf32>, vector<16xf32>, vector<16xf32>, vector<16xf32>, vector<16xf32>, vector<16xf32>)  : i32 {
        %mul3A_612 = arith.constant 128 : i32
        %mul3A_613 = arith.muli %scan3A_595, %mul3A_612 : i32
        %add3A_614 = arith.constant 0 : i32
        %add3A_615 = arith.addi %mul3A_613, %add3A_614 : i32
        %get3A = arith.constant 1 : i32
        %get3A_616 = arith.index_cast %get3A : i32 to index
        %get3A_617 = arith.index_cast %add3A_615 : i32 to index
        %get3A_618 = tpu.vector_load %arg9[%get3A_616, %get3A_617] {strides = array<i32>} : memref<2x32768xf32, #tpu.memory_space<vmem>>, vector<16xf32>,
        %max3A_619 = arith.maximumf %scan3A_596, %get3A_618 : vector<16xf32>
        %min3A_620 = arith.minimumf %scan3A_596, %get3A_618 : vector<16xf32>
        %max3A_621 = arith.maximumf %scan3A_597, %min3A_620 : vector<16xf32>
        %add3A_622 = arith.constant 16 : i32
        %add3A_623 = arith.addi %mul3A_613, %add3A_622 : i32
        %get3A_624 = arith.constant 1 : i32
        %get3A_625 = arith.index_cast %get3A_624 : i32 to index
        %get3A_626 = arith.index_cast %add3A_623 : i32 to index
        %get3A_627 = tpu.vector_load %arg9[%get3A_625, %get3A_626] {strides = array<i32>} : memref<2x32768xf32, #tpu.memory_space<vmem>>, vector<16xf32>,
        %max3A_628 = arith.maximumf %scan3A_598, %get3A_627 : vector<16xf32>
        %min3A_629 = arith.minimumf %scan3A_598, %get3A_627 : vector<16xf32>
        %max3A_630 = arith.maximumf %scan3A_599, %min3A_629 : vector<16xf32>
        %add3A_631 = arith.constant 32 : i32
        %add3A_632 = arith.addi %mul3A_613, %add3A_631 : i32
        %get3A_633 = arith.constant 1 : i32
        %get3A_634 = arith.index_cast %get3A_633 : i32 to index
        %get3A_635 = arith.index_cast %add3A_632 : i32 to index
        %get3A_636 = tpu.vector_load %arg9[%get3A_634, %get3A_635] {strides = array<i32>} : memref<2x32768xf32, #tpu.memory_space<vmem>>, vector<16xf32>,
        %max3A_637 = arith.maximumf %scan3A_600, %get3A_636 : vector<16xf32>
        %min3A_638 = arith.minimumf %scan3A_600, %get3A_636 : vector<16xf32>
        %max3A_639 = arith.maximumf %scan3A_601, %min3A_638 : vector<16xf32>
        %add3A_640 = arith.constant 48 : i32
        %add3A_641 = arith.addi %mul3A_613, %add3A_640 : i32
        %get3A_642 = arith.constant 1 : i32
        %get3A_643 = arith.index_cast %get3A_642 : i32 to index
        %get3A_644 = arith.index_cast %add3A_641 : i32 to index
        %get3A_645 = tpu.vector_load %arg9[%get3A_643, %get3A_644] {strides = array<i32>} : memref<2x32768xf32, #tpu.memory_space<vmem>>, vector<16xf32>,
        %max3A_646 = arith.maximumf %scan3A_602, %get3A_645 : vector<16xf32>
        %min3A_647 = arith.minimumf %scan3A_602, %get3A_645 : vector<16xf32>
        %max3A_648 = arith.maximumf %scan3A_603, %min3A_647 : vector<16xf32>
        %add3A_649 = arith.constant 64 : i32
        %add3A_650 = arith.addi %mul3A_613, %add3A_649 : i32
        %get3A_651 = arith.constant 1 : i32
        %get3A_652 = arith.index_cast %get3A_651 : i32 to index
        %get3A_653 = arith.index_cast %add3A_650 : i32 to index
        %get3A_654 = tpu.vector_load %arg9[%get3A_652, %get3A_653] {strides = array<i32>} : memref<2x32768xf32, #tpu.memory_space<vmem>>, vector<16xf32>,
        %max3A_655 = arith.maximumf %scan3A_604, %get3A_654 : vector<16xf32>
        %min3A_656 = arith.minimumf %scan3A_604, %get3A_654 : vector<16xf32>
        %max3A_657 = arith.maximumf %scan3A_605, %min3A_656 : vector<16xf32>
        %add3A_658 = arith.constant 80 : i32
        %add3A_659 = arith.addi %mul3A_613, %add3A_658 : i32
        %get3A_660 = arith.constant 1 : i32
        %get3A_661 = arith.index_cast %get3A_660 : i32 to index
        %get3A_662 = arith.index_cast %add3A_659 : i32 to index
        %get3A_663 = tpu.vector_load %arg9[%get3A_661, %get3A_662] {strides = array<i32>} : memref<2x32768xf32, #tpu.memory_space<vmem>>, vector<16xf32>,
        %max3A_664 = arith.maximumf %scan3A_606, %get3A_663 : vector<16xf32>
        %min3A_665 = arith.minimumf %scan3A_606, %get3A_663 : vector<16xf32>
        %max3A_666 = arith.maximumf %scan3A_607, %min3A_665 : vector<16xf32>
        %add3A_667 = arith.constant 96 : i32
        %add3A_668 = arith.addi %mul3A_613, %add3A_667 : i32
        %get3A_669 = arith.constant 1 : i32
        %get3A_670 = arith.index_cast %get3A_669 : i32 to index
        %get3A_671 = arith.index_cast %add3A_668 : i32 to index
        %get3A_672 = tpu.vector_load %arg9[%get3A_670, %get3A_671] {strides = array<i32>} : memref<2x32768xf32, #tpu.memory_space<vmem>>, vector<16xf32>,
        %max3A_673 = arith.maximumf %scan3A_608, %get3A_672 : vector<16xf32>
        %min3A_674 = arith.minimumf %scan3A_608, %get3A_672 : vector<16xf32>
        %max3A_675 = arith.maximumf %scan3A_609, %min3A_674 : vector<16xf32>
        %add3A_676 = arith.constant 112 : i32
        %add3A_677 = arith.addi %mul3A_613, %add3A_676 : i32
        %get3A_678 = arith.constant 1 : i32
        %get3A_679 = arith.index_cast %get3A_678 : i32 to index
        %get3A_680 = arith.index_cast %add3A_677 : i32 to index
        %get3A_681 = tpu.vector_load %arg9[%get3A_679, %get3A_680] {strides = array<i32>} : memref<2x32768xf32, #tpu.memory_space<vmem>>, vector<16xf32>,
        %max3A_682 = arith.maximumf %scan3A_610, %get3A_681 : vector<16xf32>
        %min3A_683 = arith.minimumf %scan3A_610, %get3A_681 : vector<16xf32>
        %max3A_684 = arith.maximumf %scan3A_611, %min3A_683 : vector<16xf32>
        scf.yield %max3A_619, %max3A_621, %max3A_628, %max3A_630, %max3A_637, %max3A_639, %max3A_646, %max3A_648, %max3A_655, %max3A_657, %max3A_664, %max3A_666, %max3A_673, %max3A_675, %max3A_682, %max3A_684 : vector<16xf32>, vector<16xf32>, vector<16xf32>, vector<16xf32>, vector<16xf32>, vector<16xf32>, vector<16xf32>, vector<16xf32>, vector<16xf32>, vector<16xf32>, vector<16xf32>, vector<16xf32>, vector<16xf32>, vector<16xf32>, vector<16xf32>, vector<16xf32>
      }
      %scan3A_232 = arith.constant 256 : i32
      %max3A_233 = arith.maximumf %scan3A_231#1, %scan3A_231#3 : vector<16xf32>
      %min3A_234 = arith.minimumf %scan3A_231#0, %scan3A_231#2 : vector<16xf32>
      %max3A_235 = arith.maximumf %max3A_233, %min3A_234 : vector<16xf32>
      %max3A_236 = arith.maximumf %scan3A_231#0, %scan3A_231#2 : vector<16xf32>
      %max3A_237 = arith.maximumf %max3A_235, %scan3A_231#5 : vector<16xf32>
      %min3A_238 = arith.minimumf %max3A_236, %scan3A_231#4 : vector<16xf32>
      %max3A_239 = arith.maximumf %max3A_237, %min3A_238 : vector<16xf32>
      %max3A_240 = arith.maximumf %max3A_236, %scan3A_231#4 : vector<16xf32>
      %max3A_241 = arith.maximumf %max3A_239, %scan3A_231#7 : vector<16xf32>
      %min3A_242 = arith.minimumf %max3A_240, %scan3A_231#6 : vector<16xf32>
      %max3A_243 = arith.maximumf %max3A_241, %min3A_242 : vector<16xf32>
      %max3A_244 = arith.maximumf %max3A_240, %scan3A_231#6 : vector<16xf32>
      %max3A_245 = arith.maximumf %max3A_243, %scan3A_231#9 : vector<16xf32>
      %min3A_246 = arith.minimumf %max3A_244, %scan3A_231#8 : vector<16xf32>
      %max3A_247 = arith.maximumf %max3A_245, %min3A_246 : vector<16xf32>
      %max3A_248 = arith.maximumf %max3A_244, %scan3A_231#8 : vector<16xf32>
      %max3A_249 = arith.maximumf %max3A_247, %scan3A_231#11 : vector<16xf32>
      %min3A_250 = arith.minimumf %max3A_248, %scan3A_231#10 : vector<16xf32>
      %max3A_251 = arith.maximumf %max3A_249, %min3A_250 : vector<16xf32>
      %max3A_252 = arith.maximumf %max3A_248, %scan3A_231#10 : vector<16xf32>
      %max3A_253 = arith.maximumf %max3A_251, %scan3A_231#13 : vector<16xf32>
      %min3A_254 = arith.minimumf %max3A_252, %scan3A_231#12 : vector<16xf32>
      %max3A_255 = arith.maximumf %max3A_253, %min3A_254 : vector<16xf32>
      %max3A_256 = arith.maximumf %max3A_252, %scan3A_231#12 : vector<16xf32>
      %max3A_257 = arith.maximumf %max3A_255, %scan3A_231#15 : vector<16xf32>
      %min3A_258 = arith.minimumf %max3A_256, %scan3A_231#14 : vector<16xf32>
      %max3A_259 = arith.maximumf %max3A_257, %min3A_258 : vector<16xf32>
      %max3A_260 = arith.maximumf %max3A_256, %scan3A_231#14 : vector<16xf32>
      %reduce_max3A_261 = arith.constant true
      %reduce_max3A_262 = vector.broadcast %reduce_max3A_261 : i1 to vector<16xi1>
      %reduce_max3A_263 = tpu.scan <max>, %max3A_260 masked %reduce_max3A_262 : vector<16xf32>, vector<16xi1> -> vector<16xf32>
      %reduce_max3A_264 = vector.extract %reduce_max3A_263[15] : f32 from vector<16xf32>
      %eq3A_265 = vector.broadcast %reduce_max3A_264 : f32 to vector<16xf32>
      %eq3A_266 = arith.cmpf oeq, %max3A_260, %eq3A_265 : vector<16xf32>
      %all_reduce_population_count3A_267 = tpu.all_reduce %eq3A_266 {dim = 0 : i64, kind = #tpu.reduction_kind<sum>} : vector<16xi1> -> vector<16xi32>
      %reduce_max3A_268 = arith.constant true
      %reduce_max3A_269 = vector.broadcast %reduce_max3A_268 : i1 to vector<16xi1>
      %reduce_max3A_270 = arith.constant -2147483648 : i32
      %reduce_max3A_271 = vector.broadcast %reduce_max3A_270 : i32 to vector<16xi32>
      %reduce_max3A_272 = arith.xori %all_reduce_population_count3A_267, %reduce_max3A_271 : vector<16xi32>
      %reduce_max3A_273 = tpu.scan <max>, %reduce_max3A_272 masked %reduce_max3A_269 : vector<16xi32>, vector<16xi1> -> vector<16xi32>
      %reduce_max3A_274 = arith.xori %reduce_max3A_273, %reduce_max3A_271 : vector<16xi32>
      %reduce_max3A_275 = vector.extract %reduce_max3A_274[15] : i32 from vector<16xi32>
      %jit3A_276 = arith.constant -3.000000e+38 : f32
      %broadcast_in_dim3A_277 = vector.broadcast %jit3A_276 : f32 to vector<16xf32>
      %select_n3A_278 = arith.select %eq3A_266, %broadcast_in_dim3A_277, %max3A_260 : vector<16xi1>, vector<16xf32>
      %reduce_max3A_279 = arith.constant true
      %reduce_max3A_280 = vector.broadcast %reduce_max3A_279 : i1 to vector<16xi1>
      %reduce_max3A_281 = tpu.scan <max>, %select_n3A_278 masked %reduce_max3A_280 : vector<16xf32>, vector<16xi1> -> vector<16xf32>
      %reduce_max3A_282 = vector.extract %reduce_max3A_281[15] : f32 from vector<16xf32>
      %reduce_max3A_283 = arith.constant true
      %reduce_max3A_284 = vector.broadcast %reduce_max3A_283 : i1 to vector<16xi1>
      %reduce_max3A_285 = tpu.scan <max>, %max3A_259 masked %reduce_max3A_284 : vector<16xf32>, vector<16xi1> -> vector<16xf32>
      %reduce_max3A_286 = vector.extract %reduce_max3A_285[15] : f32 from vector<16xf32>
      %max3A_287 = arith.maximumf %reduce_max3A_282, %reduce_max3A_286 : f32
      %ge3A_288 = arith.constant 2 : i32
      %ge3A_289 = arith.cmpi sge, %reduce_max3A_275, %ge3A_288 : i32
      %select_n3A_290 = arith.select %ge3A_289, %reduce_max3A_264, %max3A_287 : f32
      %min3A_291 = arith.constant 32767 : i32
      %min3A_292 = vector.broadcast %min3A_291 : i32 to vector<16xi32>
      %min3A_293 = arith.minsi %gather3A, %min3A_292 : vector<16xi32>
      %broadcast_in_dim3A_294 = arith.constant 1 : i32
      %broadcast_in_dim3A_295 = vector.broadcast %broadcast_in_dim3A_294 : i32 to vector<16xi32>
      %gather3A_296 = tpu.vector_load_idx %arg9[%broadcast_in_dim3A_295, %min3A_293] : memref<2x32768xf32, #tpu.memory_space<vmem>>[vector<16xi32>, vector<16xi32>], vector<16xf32>,
      %max3A_297 = arith.maximumf %max3A_156, %max3A_260 : vector<16xf32>
      %eq3A_298 = vector.broadcast %reduce_max3A_264 : f32 to vector<16xf32>
      %eq3A_299 = arith.cmpf oeq, %gather3A_296, %eq3A_298 : vector<16xf32>
      %sub3A_300 = arith.subf %reduce_max3A_264, %select_n3A_290 : f32
      %jit3A_301 = arith.constant 0.000000e+00 : f32
      %broadcast_in_dim3A_302 = vector.broadcast %sub3A_300 : f32 to vector<16xf32>
      %broadcast_in_dim3A_303 = vector.broadcast %jit3A_301 : f32 to vector<16xf32>
      %select_n3A_304 = arith.select %eq3A_299, %broadcast_in_dim3A_302, %broadcast_in_dim3A_303 : vector<16xi1>, vector<16xf32>
      %eq3A_305 = arith.constant 6 : i32
      %eq3A_306 = vector.broadcast %eq3A_305 : i32 to vector<16xi32>
      %eq3A_307 = arith.cmpi eq, %iota3A, %eq3A_306 : vector<16xi32>
      %select_n3A_308 = arith.select %eq3A_307, %select_n3A_304, %select_n3A_166 : vector<16xi1>, vector<16xf32>
      %add3A_309 = arith.addi %mul3A_2, %scan3A_26 : i32
      %dma_start3A_310 = arith.constant 1 : i32
      %dma_start3A_311 = arith.constant 0 : i32
      %dma_start3A_312 = tpu.memref_slice %arg9[%dma_start3A_310, %dma_start3A_311] : memref<2x32768xf32, #tpu.memory_space<vmem>> -> memref<1x16384xf32, #tpu.memory_space<vmem>>
      %dma_start3A_313 = tpu.memref_squeeze %dma_start3A_312 : memref<1x16384xf32, #tpu.memory_space<vmem>> -> memref<16384xf32, #tpu.memory_space<vmem>>
      %dma_start3A_314 = arith.constant 0 : i32
      %dma_start3A_315 = tpu.memref_slice %arg2[%add3A_309, %dma_start3A_314] : memref<128x32768xf32, #tpu.memory_space<hbm>> -> memref<1x16384xf32, #tpu.memory_space<hbm>>
      %dma_start3A_316 = tpu.memref_squeeze %dma_start3A_315 : memref<1x16384xf32, #tpu.memory_space<hbm>> -> memref<16384xf32, #tpu.memory_space<hbm>>
      %dma_start3A_317 = arith.constant 0 : i32
      %dma_start3A_318 = tpu.memref_slice %arg9[%dma_start3A_310, %dma_start3A_317] : memref<2x32768xf32, #tpu.memory_space<vmem>> -> memref<1x16384xf32, #tpu.memory_space<vmem>>
      %dma_start3A_319 = tpu.memref_squeeze %dma_start3A_318 : memref<1x16384xf32, #tpu.memory_space<vmem>> -> memref<16384xf32, #tpu.memory_space<vmem>>
      %dma_start3A_320 = arith.constant 0 : i32
      %dma_start3A_321 = tpu.memref_slice %arg2[%add3A_309, %dma_start3A_320] : memref<128x32768xf32, #tpu.memory_space<hbm>> -> memref<1x16384xf32, #tpu.memory_space<hbm>>
      %dma_start3A_322 = tpu.memref_squeeze %dma_start3A_321 : memref<1x16384xf32, #tpu.memory_space<hbm>> -> memref<16384xf32, #tpu.memory_space<hbm>>
      tpu.enqueue_dma source(%dma_start3A_322 : memref<16384xf32, #tpu.memory_space<hbm>>) target(%dma_start3A_319 : memref<16384xf32, #tpu.memory_space<vmem>>) target_semaphore(%arg12 : memref<!tpu.dma_semaphore, #tpu.memory_space<semaphore_mem>>)
      %add3A_323 = arith.addi %mul3A_2, %scan3A_26 : i32
      %dma_wait3A_324 = arith.constant 0 : i32
      %dma_wait3A_325 = arith.constant 0 : i32
      %dma_wait3A_326 = tpu.memref_slice %arg9[%dma_wait3A_324, %dma_wait3A_325] : memref<2x32768xf32, #tpu.memory_space<vmem>> -> memref<1x32768xf32, #tpu.memory_space<vmem>>
      %dma_wait3A_327 = tpu.memref_squeeze %dma_wait3A_326 : memref<1x32768xf32, #tpu.memory_space<vmem>> -> memref<32768xf32, #tpu.memory_space<vmem>>
      %dma_wait3A_328 = arith.constant 0 : i32
      %dma_wait3A_329 = tpu.memref_slice %arg5[%add3A_323, %dma_wait3A_328] : memref<128x32768xf32, #tpu.memory_space<hbm>> -> memref<1x32768xf32, #tpu.memory_space<hbm>>
      %dma_wait3A_330 = tpu.memref_squeeze %dma_wait3A_329 : memref<1x32768xf32, #tpu.memory_space<hbm>> -> memref<32768xf32, #tpu.memory_space<hbm>>
      %dma_wait3A_331 = arith.constant 0 : i32
      %dma_wait3A_332 = tpu.memref_slice %arg9[%dma_wait3A_324, %dma_wait3A_331] : memref<2x32768xf32, #tpu.memory_space<vmem>> -> memref<1x32768xf32, #tpu.memory_space<vmem>>
      %dma_wait3A_333 = tpu.memref_squeeze %dma_wait3A_332 : memref<1x32768xf32, #tpu.memory_space<vmem>> -> memref<32768xf32, #tpu.memory_space<vmem>>
      %dma_wait3A_334 = arith.constant 0 : i32
      %dma_wait3A_335 = tpu.memref_slice %arg5[%add3A_323, %dma_wait3A_334] : memref<128x32768xf32, #tpu.memory_space<hbm>> -> memref<1x32768xf32, #tpu.memory_space<hbm>>
      %dma_wait3A_336 = tpu.memref_squeeze %dma_wait3A_335 : memref<1x32768xf32, #tpu.memory_space<hbm>> -> memref<32768xf32, #tpu.memory_space<hbm>>
      tpu.wait_dma2 semaphore(%arg12 : memref<!tpu.dma_semaphore, #tpu.memory_space<semaphore_mem>>) src(%dma_wait3A_336 : memref<32768xf32, #tpu.memory_space<hbm>>) dst(%dma_wait3A_333 : memref<32768xf32, #tpu.memory_space<vmem>>)
      %broadcast_in_dim3A_337 = arith.constant -3.000000e+38 : f32
      %broadcast_in_dim3A_338 = vector.broadcast %broadcast_in_dim3A_337 : f32 to vector<16xf32>
      %broadcast_in_dim3A_339 = arith.constant -3.000000e+38 : f32
      %broadcast_in_dim3A_340 = vector.broadcast %broadcast_in_dim3A_339 : f32 to vector<16xf32>
      %broadcast_in_dim3A_341 = arith.constant -3.000000e+38 : f32
      %broadcast_in_dim3A_342 = vector.broadcast %broadcast_in_dim3A_341 : f32 to vector<16xf32>
      %broadcast_in_dim3A_343 = arith.constant -3.000000e+38 : f32
      %broadcast_in_dim3A_344 = vector.broadcast %broadcast_in_dim3A_343 : f32 to vector<16xf32>
      %broadcast_in_dim3A_345 = arith.constant -3.000000e+38 : f32
      %broadcast_in_dim3A_346 = vector.broadcast %broadcast_in_dim3A_345 : f32 to vector<16xf32>
      %broadcast_in_dim3A_347 = arith.constant -3.000000e+38 : f32
      %broadcast_in_dim3A_348 = vector.broadcast %broadcast_in_dim3A_347 : f32 to vector<16xf32>
      %broadcast_in_dim3A_349 = arith.constant -3.000000e+38 : f32
      %broadcast_in_dim3A_350 = vector.broadcast %broadcast_in_dim3A_349 : f32 to vector<16xf32>
      %broadcast_in_dim3A_351 = arith.constant -3.000000e+38 : f32
      %broadcast_in_dim3A_352 = vector.broadcast %broadcast_in_dim3A_351 : f32 to vector<16xf32>
      %broadcast_in_dim3A_353 = arith.constant -3.000000e+38 : f32
      %broadcast_in_dim3A_354 = vector.broadcast %broadcast_in_dim3A_353 : f32 to vector<16xf32>
      %broadcast_in_dim3A_355 = arith.constant -3.000000e+38 : f32
      %broadcast_in_dim3A_356 = vector.broadcast %broadcast_in_dim3A_355 : f32 to vector<16xf32>
      %broadcast_in_dim3A_357 = arith.constant -3.000000e+38 : f32
      %broadcast_in_dim3A_358 = vector.broadcast %broadcast_in_dim3A_357 : f32 to vector<16xf32>
      %broadcast_in_dim3A_359 = arith.constant -3.000000e+38 : f32
      %broadcast_in_dim3A_360 = vector.broadcast %broadcast_in_dim3A_359 : f32 to vector<16xf32>
      %broadcast_in_dim3A_361 = arith.constant -3.000000e+38 : f32
      %broadcast_in_dim3A_362 = vector.broadcast %broadcast_in_dim3A_361 : f32 to vector<16xf32>
      %broadcast_in_dim3A_363 = arith.constant -3.000000e+38 : f32
      %broadcast_in_dim3A_364 = vector.broadcast %broadcast_in_dim3A_363 : f32 to vector<16xf32>
      %broadcast_in_dim3A_365 = arith.constant -3.000000e+38 : f32
      %broadcast_in_dim3A_366 = vector.broadcast %broadcast_in_dim3A_365 : f32 to vector<16xf32>
      %broadcast_in_dim3A_367 = arith.constant -3.000000e+38 : f32
      %broadcast_in_dim3A_368 = vector.broadcast %broadcast_in_dim3A_367 : f32 to vector<16xf32>
      %scan3A_369 = arith.constant 0 : i32
      %scan3A_370 = arith.constant 256 : i32
      %scan3A_371 = arith.addi %scan3A_369, %scan3A_370 : i32
      %scan3A_372 = arith.constant 1 : i32
      %scan3A_373:16 = scf.for %scan3A_595 = %scan3A_369 to %scan3A_371 step %scan3A_372 iter_args(%scan3A_596 = %broadcast_in_dim3A_338, %scan3A_597 = %broadcast_in_dim3A_340, %scan3A_598 = %broadcast_in_dim3A_342, %scan3A_599 = %broadcast_in_dim3A_344, %scan3A_600 = %broadcast_in_dim3A_346, %scan3A_601 = %broadcast_in_dim3A_348, %scan3A_602 = %broadcast_in_dim3A_350, %scan3A_603 = %broadcast_in_dim3A_352, %scan3A_604 = %broadcast_in_dim3A_354, %scan3A_605 = %broadcast_in_dim3A_356, %scan3A_606 = %broadcast_in_dim3A_358, %scan3A_607 = %broadcast_in_dim3A_360, %scan3A_608 = %broadcast_in_dim3A_362, %scan3A_609 = %broadcast_in_dim3A_364, %scan3A_610 = %broadcast_in_dim3A_366, %scan3A_611 = %broadcast_in_dim3A_368) -> (vector<16xf32>, vector<16xf32>, vector<16xf32>, vector<16xf32>, vector<16xf32>, vector<16xf32>, vector<16xf32>, vector<16xf32>, vector<16xf32>, vector<16xf32>, vector<16xf32>, vector<16xf32>, vector<16xf32>, vector<16xf32>, vector<16xf32>, vector<16xf32>)  : i32 {
        %mul3A_612 = arith.constant 128 : i32
        %mul3A_613 = arith.muli %scan3A_595, %mul3A_612 : i32
        %add3A_614 = arith.constant 0 : i32
        %add3A_615 = arith.addi %mul3A_613, %add3A_614 : i32
        %get3A = arith.constant 0 : i32
        %get3A_616 = arith.index_cast %get3A : i32 to index
        %get3A_617 = arith.index_cast %add3A_615 : i32 to index
        %get3A_618 = tpu.vector_load %arg9[%get3A_616, %get3A_617] {strides = array<i32>} : memref<2x32768xf32, #tpu.memory_space<vmem>>, vector<16xf32>,
        %max3A_619 = arith.maximumf %scan3A_596, %get3A_618 : vector<16xf32>
        %min3A_620 = arith.minimumf %scan3A_596, %get3A_618 : vector<16xf32>
        %max3A_621 = arith.maximumf %scan3A_597, %min3A_620 : vector<16xf32>
        %add3A_622 = arith.constant 16 : i32
        %add3A_623 = arith.addi %mul3A_613, %add3A_622 : i32
        %get3A_624 = arith.constant 0 : i32
        %get3A_625 = arith.index_cast %get3A_624 : i32 to index
        %get3A_626 = arith.index_cast %add3A_623 : i32 to index
        %get3A_627 = tpu.vector_load %arg9[%get3A_625, %get3A_626] {strides = array<i32>} : memref<2x32768xf32, #tpu.memory_space<vmem>>, vector<16xf32>,
        %max3A_628 = arith.maximumf %scan3A_598, %get3A_627 : vector<16xf32>
        %min3A_629 = arith.minimumf %scan3A_598, %get3A_627 : vector<16xf32>
        %max3A_630 = arith.maximumf %scan3A_599, %min3A_629 : vector<16xf32>
        %add3A_631 = arith.constant 32 : i32
        %add3A_632 = arith.addi %mul3A_613, %add3A_631 : i32
        %get3A_633 = arith.constant 0 : i32
        %get3A_634 = arith.index_cast %get3A_633 : i32 to index
        %get3A_635 = arith.index_cast %add3A_632 : i32 to index
        %get3A_636 = tpu.vector_load %arg9[%get3A_634, %get3A_635] {strides = array<i32>} : memref<2x32768xf32, #tpu.memory_space<vmem>>, vector<16xf32>,
        %max3A_637 = arith.maximumf %scan3A_600, %get3A_636 : vector<16xf32>
        %min3A_638 = arith.minimumf %scan3A_600, %get3A_636 : vector<16xf32>
        %max3A_639 = arith.maximumf %scan3A_601, %min3A_638 : vector<16xf32>
        %add3A_640 = arith.constant 48 : i32
        %add3A_641 = arith.addi %mul3A_613, %add3A_640 : i32
        %get3A_642 = arith.constant 0 : i32
        %get3A_643 = arith.index_cast %get3A_642 : i32 to index
        %get3A_644 = arith.index_cast %add3A_641 : i32 to index
        %get3A_645 = tpu.vector_load %arg9[%get3A_643, %get3A_644] {strides = array<i32>} : memref<2x32768xf32, #tpu.memory_space<vmem>>, vector<16xf32>,
        %max3A_646 = arith.maximumf %scan3A_602, %get3A_645 : vector<16xf32>
        %min3A_647 = arith.minimumf %scan3A_602, %get3A_645 : vector<16xf32>
        %max3A_648 = arith.maximumf %scan3A_603, %min3A_647 : vector<16xf32>
        %add3A_649 = arith.constant 64 : i32
        %add3A_650 = arith.addi %mul3A_613, %add3A_649 : i32
        %get3A_651 = arith.constant 0 : i32
        %get3A_652 = arith.index_cast %get3A_651 : i32 to index
        %get3A_653 = arith.index_cast %add3A_650 : i32 to index
        %get3A_654 = tpu.vector_load %arg9[%get3A_652, %get3A_653] {strides = array<i32>} : memref<2x32768xf32, #tpu.memory_space<vmem>>, vector<16xf32>,
        %max3A_655 = arith.maximumf %scan3A_604, %get3A_654 : vector<16xf32>
        %min3A_656 = arith.minimumf %scan3A_604, %get3A_654 : vector<16xf32>
        %max3A_657 = arith.maximumf %scan3A_605, %min3A_656 : vector<16xf32>
        %add3A_658 = arith.constant 80 : i32
        %add3A_659 = arith.addi %mul3A_613, %add3A_658 : i32
        %get3A_660 = arith.constant 0 : i32
        %get3A_661 = arith.index_cast %get3A_660 : i32 to index
        %get3A_662 = arith.index_cast %add3A_659 : i32 to index
        %get3A_663 = tpu.vector_load %arg9[%get3A_661, %get3A_662] {strides = array<i32>} : memref<2x32768xf32, #tpu.memory_space<vmem>>, vector<16xf32>,
        %max3A_664 = arith.maximumf %scan3A_606, %get3A_663 : vector<16xf32>
        %min3A_665 = arith.minimumf %scan3A_606, %get3A_663 : vector<16xf32>
        %max3A_666 = arith.maximumf %scan3A_607, %min3A_665 : vector<16xf32>
        %add3A_667 = arith.constant 96 : i32
        %add3A_668 = arith.addi %mul3A_613, %add3A_667 : i32
        %get3A_669 = arith.constant 0 : i32
        %get3A_670 = arith.index_cast %get3A_669 : i32 to index
        %get3A_671 = arith.index_cast %add3A_668 : i32 to index
        %get3A_672 = tpu.vector_load %arg9[%get3A_670, %get3A_671] {strides = array<i32>} : memref<2x32768xf32, #tpu.memory_space<vmem>>, vector<16xf32>,
        %max3A_673 = arith.maximumf %scan3A_608, %get3A_672 : vector<16xf32>
        %min3A_674 = arith.minimumf %scan3A_608, %get3A_672 : vector<16xf32>
        %max3A_675 = arith.maximumf %scan3A_609, %min3A_674 : vector<16xf32>
        %add3A_676 = arith.constant 112 : i32
        %add3A_677 = arith.addi %mul3A_613, %add3A_676 : i32
        %get3A_678 = arith.constant 0 : i32
        %get3A_679 = arith.index_cast %get3A_678 : i32 to index
        %get3A_680 = arith.index_cast %add3A_677 : i32 to index
        %get3A_681 = tpu.vector_load %arg9[%get3A_679, %get3A_680] {strides = array<i32>} : memref<2x32768xf32, #tpu.memory_space<vmem>>, vector<16xf32>,
        %max3A_682 = arith.maximumf %scan3A_610, %get3A_681 : vector<16xf32>
        %min3A_683 = arith.minimumf %scan3A_610, %get3A_681 : vector<16xf32>
        %max3A_684 = arith.maximumf %scan3A_611, %min3A_683 : vector<16xf32>
        scf.yield %max3A_619, %max3A_621, %max3A_628, %max3A_630, %max3A_637, %max3A_639, %max3A_646, %max3A_648, %max3A_655, %max3A_657, %max3A_664, %max3A_666, %max3A_673, %max3A_675, %max3A_682, %max3A_684 : vector<16xf32>, vector<16xf32>, vector<16xf32>, vector<16xf32>, vector<16xf32>, vector<16xf32>, vector<16xf32>, vector<16xf32>, vector<16xf32>, vector<16xf32>, vector<16xf32>, vector<16xf32>, vector<16xf32>, vector<16xf32>, vector<16xf32>, vector<16xf32>
      }
      %scan3A_374 = arith.constant 256 : i32
      %max3A_375 = arith.maximumf %scan3A_373#1, %scan3A_373#3 : vector<16xf32>
      %min3A_376 = arith.minimumf %scan3A_373#0, %scan3A_373#2 : vector<16xf32>
      %max3A_377 = arith.maximumf %max3A_375, %min3A_376 : vector<16xf32>
      %max3A_378 = arith.maximumf %scan3A_373#0, %scan3A_373#2 : vector<16xf32>
      %max3A_379 = arith.maximumf %max3A_377, %scan3A_373#5 : vector<16xf32>
      %min3A_380 = arith.minimumf %max3A_378, %scan3A_373#4 : vector<16xf32>
      %max3A_381 = arith.maximumf %max3A_379, %min3A_380 : vector<16xf32>
      %max3A_382 = arith.maximumf %max3A_378, %scan3A_373#4 : vector<16xf32>
      %max3A_383 = arith.maximumf %max3A_381, %scan3A_373#7 : vector<16xf32>
      %min3A_384 = arith.minimumf %max3A_382, %scan3A_373#6 : vector<16xf32>
      %max3A_385 = arith.maximumf %max3A_383, %min3A_384 : vector<16xf32>
      %max3A_386 = arith.maximumf %max3A_382, %scan3A_373#6 : vector<16xf32>
      %max3A_387 = arith.maximumf %max3A_385, %scan3A_373#9 : vector<16xf32>
      %min3A_388 = arith.minimumf %max3A_386, %scan3A_373#8 : vector<16xf32>
      %max3A_389 = arith.maximumf %max3A_387, %min3A_388 : vector<16xf32>
      %max3A_390 = arith.maximumf %max3A_386, %scan3A_373#8 : vector<16xf32>
      %max3A_391 = arith.maximumf %max3A_389, %scan3A_373#11 : vector<16xf32>
      %min3A_392 = arith.minimumf %max3A_390, %scan3A_373#10 : vector<16xf32>
      %max3A_393 = arith.maximumf %max3A_391, %min3A_392 : vector<16xf32>
      %max3A_394 = arith.maximumf %max3A_390, %scan3A_373#10 : vector<16xf32>
      %max3A_395 = arith.maximumf %max3A_393, %scan3A_373#13 : vector<16xf32>
      %min3A_396 = arith.minimumf %max3A_394, %scan3A_373#12 : vector<16xf32>
      %max3A_397 = arith.maximumf %max3A_395, %min3A_396 : vector<16xf32>
      %max3A_398 = arith.maximumf %max3A_394, %scan3A_373#12 : vector<16xf32>
      %max3A_399 = arith.maximumf %max3A_397, %scan3A_373#15 : vector<16xf32>
      %min3A_400 = arith.minimumf %max3A_398, %scan3A_373#14 : vector<16xf32>
      %max3A_401 = arith.maximumf %max3A_399, %min3A_400 : vector<16xf32>
      %max3A_402 = arith.maximumf %max3A_398, %scan3A_373#14 : vector<16xf32>
      %reduce_max3A_403 = arith.constant true
      %reduce_max3A_404 = vector.broadcast %reduce_max3A_403 : i1 to vector<16xi1>
      %reduce_max3A_405 = tpu.scan <max>, %max3A_402 masked %reduce_max3A_404 : vector<16xf32>, vector<16xi1> -> vector<16xf32>
      %reduce_max3A_406 = vector.extract %reduce_max3A_405[15] : f32 from vector<16xf32>
      %eq3A_407 = vector.broadcast %reduce_max3A_406 : f32 to vector<16xf32>
      %eq3A_408 = arith.cmpf oeq, %max3A_402, %eq3A_407 : vector<16xf32>
      %all_reduce_population_count3A_409 = tpu.all_reduce %eq3A_408 {dim = 0 : i64, kind = #tpu.reduction_kind<sum>} : vector<16xi1> -> vector<16xi32>
      %reduce_max3A_410 = arith.constant true
      %reduce_max3A_411 = vector.broadcast %reduce_max3A_410 : i1 to vector<16xi1>
      %reduce_max3A_412 = arith.constant -2147483648 : i32
      %reduce_max3A_413 = vector.broadcast %reduce_max3A_412 : i32 to vector<16xi32>
      %reduce_max3A_414 = arith.xori %all_reduce_population_count3A_409, %reduce_max3A_413 : vector<16xi32>
      %reduce_max3A_415 = tpu.scan <max>, %reduce_max3A_414 masked %reduce_max3A_411 : vector<16xi32>, vector<16xi1> -> vector<16xi32>
      %reduce_max3A_416 = arith.xori %reduce_max3A_415, %reduce_max3A_413 : vector<16xi32>
      %reduce_max3A_417 = vector.extract %reduce_max3A_416[15] : i32 from vector<16xi32>
      %jit3A_418 = arith.constant -3.000000e+38 : f32
      %broadcast_in_dim3A_419 = vector.broadcast %jit3A_418 : f32 to vector<16xf32>
      %select_n3A_420 = arith.select %eq3A_408, %broadcast_in_dim3A_419, %max3A_402 : vector<16xi1>, vector<16xf32>
      %reduce_max3A_421 = arith.constant true
      %reduce_max3A_422 = vector.broadcast %reduce_max3A_421 : i1 to vector<16xi1>
      %reduce_max3A_423 = tpu.scan <max>, %select_n3A_420 masked %reduce_max3A_422 : vector<16xf32>, vector<16xi1> -> vector<16xf32>
      %reduce_max3A_424 = vector.extract %reduce_max3A_423[15] : f32 from vector<16xf32>
      %reduce_max3A_425 = arith.constant true
      %reduce_max3A_426 = vector.broadcast %reduce_max3A_425 : i1 to vector<16xi1>
      %reduce_max3A_427 = tpu.scan <max>, %max3A_401 masked %reduce_max3A_426 : vector<16xf32>, vector<16xi1> -> vector<16xf32>
      %reduce_max3A_428 = vector.extract %reduce_max3A_427[15] : f32 from vector<16xf32>
      %max3A_429 = arith.maximumf %reduce_max3A_424, %reduce_max3A_428 : f32
      %ge3A_430 = arith.constant 2 : i32
      %ge3A_431 = arith.cmpi sge, %reduce_max3A_417, %ge3A_430 : i32
      %select_n3A_432 = arith.select %ge3A_431, %reduce_max3A_406, %max3A_429 : f32
      %min3A_433 = arith.constant 32767 : i32
      %min3A_434 = vector.broadcast %min3A_433 : i32 to vector<16xi32>
      %min3A_435 = arith.minsi %gather3A, %min3A_434 : vector<16xi32>
      %broadcast_in_dim3A_436 = arith.constant 0 : i32
      %broadcast_in_dim3A_437 = vector.broadcast %broadcast_in_dim3A_436 : i32 to vector<16xi32>
      %gather3A_438 = tpu.vector_load_idx %arg9[%broadcast_in_dim3A_437, %min3A_435] : memref<2x32768xf32, #tpu.memory_space<vmem>>[vector<16xi32>, vector<16xi32>], vector<16xf32>,
      %eq3A_439 = vector.broadcast %reduce_max3A_406 : f32 to vector<16xf32>
      %eq3A_440 = arith.cmpf oeq, %gather3A_438, %eq3A_439 : vector<16xf32>
      %sub3A_441 = arith.subf %reduce_max3A_406, %select_n3A_432 : f32
      %jit3A_442 = arith.constant 0.000000e+00 : f32
      %broadcast_in_dim3A_443 = vector.broadcast %sub3A_441 : f32 to vector<16xf32>
      %broadcast_in_dim3A_444 = vector.broadcast %jit3A_442 : f32 to vector<16xf32>
      %select_n3A_445 = arith.select %eq3A_440, %broadcast_in_dim3A_443, %broadcast_in_dim3A_444 : vector<16xi1>, vector<16xf32>
      %eq3A_446 = arith.constant 7 : i32
      %eq3A_447 = vector.broadcast %eq3A_446 : i32 to vector<16xi32>
      %eq3A_448 = arith.cmpi eq, %iota3A, %eq3A_447 : vector<16xi32>
      %select_n3A_449 = arith.select %eq3A_448, %select_n3A_445, %select_n3A_308 : vector<16xi1>, vector<16xf32>
      %lt3A = arith.constant 3 : i32
      %lt3A_450 = arith.cmpi slt, %scan3A_26, %lt3A : i32
      %convert_element_type3A = arith.extui %lt3A_450 : i1 to i32
      %cond3A = arith.constant 0 : i32
      %cond3A_451 = arith.cmpi ne, %convert_element_type3A, %cond3A : i32
      scf.if %cond3A_451 {
        %add3A_595 = arith.constant 1 : i32
        %add3A_596 = arith.addi %scan3A_26, %add3A_595 : i32
        %add3A_597 = arith.addi %mul3A_2, %add3A_596 : i32
        %dma_start3A_598 = arith.constant 0 : i32
        %dma_start3A_599 = arith.constant 0 : i32
        %dma_start3A_600 = tpu.memref_slice %arg9[%dma_start3A_598, %dma_start3A_599] : memref<2x32768xf32, #tpu.memory_space<vmem>> -> memref<1x32768xf32, #tpu.memory_space<vmem>>
        %dma_start3A_601 = tpu.memref_squeeze %dma_start3A_600 : memref<1x32768xf32, #tpu.memory_space<vmem>> -> memref<32768xf32, #tpu.memory_space<vmem>>
        %dma_start3A_602 = arith.constant 0 : i32
        %dma_start3A_603 = tpu.memref_slice %arg3[%add3A_597, %dma_start3A_602] : memref<128x32768xf32, #tpu.memory_space<hbm>> -> memref<1x32768xf32, #tpu.memory_space<hbm>>
        %dma_start3A_604 = tpu.memref_squeeze %dma_start3A_603 : memref<1x32768xf32, #tpu.memory_space<hbm>> -> memref<32768xf32, #tpu.memory_space<hbm>>
        %dma_start3A_605 = arith.constant 0 : i32
        %dma_start3A_606 = tpu.memref_slice %arg9[%dma_start3A_598, %dma_start3A_605] : memref<2x32768xf32, #tpu.memory_space<vmem>> -> memref<1x32768xf32, #tpu.memory_space<vmem>>
        %dma_start3A_607 = tpu.memref_squeeze %dma_start3A_606 : memref<1x32768xf32, #tpu.memory_space<vmem>> -> memref<32768xf32, #tpu.memory_space<vmem>>
        %dma_start3A_608 = arith.constant 0 : i32
        %dma_start3A_609 = tpu.memref_slice %arg3[%add3A_597, %dma_start3A_608] : memref<128x32768xf32, #tpu.memory_space<hbm>> -> memref<1x32768xf32, #tpu.memory_space<hbm>>
        %dma_start3A_610 = tpu.memref_squeeze %dma_start3A_609 : memref<1x32768xf32, #tpu.memory_space<hbm>> -> memref<32768xf32, #tpu.memory_space<hbm>>
        tpu.enqueue_dma source(%dma_start3A_610 : memref<32768xf32, #tpu.memory_space<hbm>>) target(%dma_start3A_607 : memref<32768xf32, #tpu.memory_space<vmem>>) target_semaphore(%arg12 : memref<!tpu.dma_semaphore, #tpu.memory_space<semaphore_mem>>)
      } else {
      }
      %add3A_452 = arith.addi %mul3A_2, %scan3A_26 : i32
      %dma_wait3A_453 = arith.constant 1 : i32
      %dma_wait3A_454 = arith.constant 0 : i32
      %dma_wait3A_455 = tpu.memref_slice %arg9[%dma_wait3A_453, %dma_wait3A_454] : memref<2x32768xf32, #tpu.memory_space<vmem>> -> memref<1x16384xf32, #tpu.memory_space<vmem>>
      %dma_wait3A_456 = tpu.memref_squeeze %dma_wait3A_455 : memref<1x16384xf32, #tpu.memory_space<vmem>> -> memref<16384xf32, #tpu.memory_space<vmem>>
      %dma_wait3A_457 = arith.constant 0 : i32
      %dma_wait3A_458 = tpu.memref_slice %arg2[%add3A_452, %dma_wait3A_457] : memref<128x32768xf32, #tpu.memory_space<hbm>> -> memref<1x16384xf32, #tpu.memory_space<hbm>>
      %dma_wait3A_459 = tpu.memref_squeeze %dma_wait3A_458 : memref<1x16384xf32, #tpu.memory_space<hbm>> -> memref<16384xf32, #tpu.memory_space<hbm>>
      %dma_wait3A_460 = arith.constant 0 : i32
      %dma_wait3A_461 = tpu.memref_slice %arg9[%dma_wait3A_453, %dma_wait3A_460] : memref<2x32768xf32, #tpu.memory_space<vmem>> -> memref<1x16384xf32, #tpu.memory_space<vmem>>
      %dma_wait3A_462 = tpu.memref_squeeze %dma_wait3A_461 : memref<1x16384xf32, #tpu.memory_space<vmem>> -> memref<16384xf32, #tpu.memory_space<vmem>>
      %dma_wait3A_463 = arith.constant 0 : i32
      %dma_wait3A_464 = tpu.memref_slice %arg2[%add3A_452, %dma_wait3A_463] : memref<128x32768xf32, #tpu.memory_space<hbm>> -> memref<1x16384xf32, #tpu.memory_space<hbm>>
      %dma_wait3A_465 = tpu.memref_squeeze %dma_wait3A_464 : memref<1x16384xf32, #tpu.memory_space<hbm>> -> memref<16384xf32, #tpu.memory_space<hbm>>
      tpu.wait_dma2 semaphore(%arg12 : memref<!tpu.dma_semaphore, #tpu.memory_space<semaphore_mem>>) src(%dma_wait3A_465 : memref<16384xf32, #tpu.memory_space<hbm>>) dst(%dma_wait3A_462 : memref<16384xf32, #tpu.memory_space<vmem>>)
      %broadcast_in_dim3A_466 = arith.constant -3.000000e+38 : f32
      %broadcast_in_dim3A_467 = vector.broadcast %broadcast_in_dim3A_466 : f32 to vector<16xf32>
      %broadcast_in_dim3A_468 = arith.constant -3.000000e+38 : f32
      %broadcast_in_dim3A_469 = vector.broadcast %broadcast_in_dim3A_468 : f32 to vector<16xf32>
      %broadcast_in_dim3A_470 = arith.constant -3.000000e+38 : f32
      %broadcast_in_dim3A_471 = vector.broadcast %broadcast_in_dim3A_470 : f32 to vector<16xf32>
      %broadcast_in_dim3A_472 = arith.constant -3.000000e+38 : f32
      %broadcast_in_dim3A_473 = vector.broadcast %broadcast_in_dim3A_472 : f32 to vector<16xf32>
      %broadcast_in_dim3A_474 = arith.constant -3.000000e+38 : f32
      %broadcast_in_dim3A_475 = vector.broadcast %broadcast_in_dim3A_474 : f32 to vector<16xf32>
      %broadcast_in_dim3A_476 = arith.constant -3.000000e+38 : f32
      %broadcast_in_dim3A_477 = vector.broadcast %broadcast_in_dim3A_476 : f32 to vector<16xf32>
      %broadcast_in_dim3A_478 = arith.constant -3.000000e+38 : f32
      %broadcast_in_dim3A_479 = vector.broadcast %broadcast_in_dim3A_478 : f32 to vector<16xf32>
      %broadcast_in_dim3A_480 = arith.constant -3.000000e+38 : f32
      %broadcast_in_dim3A_481 = vector.broadcast %broadcast_in_dim3A_480 : f32 to vector<16xf32>
      %broadcast_in_dim3A_482 = arith.constant -3.000000e+38 : f32
      %broadcast_in_dim3A_483 = vector.broadcast %broadcast_in_dim3A_482 : f32 to vector<16xf32>
      %broadcast_in_dim3A_484 = arith.constant -3.000000e+38 : f32
      %broadcast_in_dim3A_485 = vector.broadcast %broadcast_in_dim3A_484 : f32 to vector<16xf32>
      %broadcast_in_dim3A_486 = arith.constant -3.000000e+38 : f32
      %broadcast_in_dim3A_487 = vector.broadcast %broadcast_in_dim3A_486 : f32 to vector<16xf32>
      %broadcast_in_dim3A_488 = arith.constant -3.000000e+38 : f32
      %broadcast_in_dim3A_489 = vector.broadcast %broadcast_in_dim3A_488 : f32 to vector<16xf32>
      %broadcast_in_dim3A_490 = arith.constant -3.000000e+38 : f32
      %broadcast_in_dim3A_491 = vector.broadcast %broadcast_in_dim3A_490 : f32 to vector<16xf32>
      %broadcast_in_dim3A_492 = arith.constant -3.000000e+38 : f32
      %broadcast_in_dim3A_493 = vector.broadcast %broadcast_in_dim3A_492 : f32 to vector<16xf32>
      %broadcast_in_dim3A_494 = arith.constant -3.000000e+38 : f32
      %broadcast_in_dim3A_495 = vector.broadcast %broadcast_in_dim3A_494 : f32 to vector<16xf32>
      %broadcast_in_dim3A_496 = arith.constant -3.000000e+38 : f32
      %broadcast_in_dim3A_497 = vector.broadcast %broadcast_in_dim3A_496 : f32 to vector<16xf32>
      %scan3A_498 = arith.constant 0 : i32
      %scan3A_499 = arith.constant 128 : i32
      %scan3A_500 = arith.addi %scan3A_498, %scan3A_499 : i32
      %scan3A_501 = arith.constant 1 : i32
      %scan3A_502:16 = scf.for %scan3A_595 = %scan3A_498 to %scan3A_500 step %scan3A_501 iter_args(%scan3A_596 = %broadcast_in_dim3A_467, %scan3A_597 = %broadcast_in_dim3A_469, %scan3A_598 = %broadcast_in_dim3A_471, %scan3A_599 = %broadcast_in_dim3A_473, %scan3A_600 = %broadcast_in_dim3A_475, %scan3A_601 = %broadcast_in_dim3A_477, %scan3A_602 = %broadcast_in_dim3A_479, %scan3A_603 = %broadcast_in_dim3A_481, %scan3A_604 = %broadcast_in_dim3A_483, %scan3A_605 = %broadcast_in_dim3A_485, %scan3A_606 = %broadcast_in_dim3A_487, %scan3A_607 = %broadcast_in_dim3A_489, %scan3A_608 = %broadcast_in_dim3A_491, %scan3A_609 = %broadcast_in_dim3A_493, %scan3A_610 = %broadcast_in_dim3A_495, %scan3A_611 = %broadcast_in_dim3A_497) -> (vector<16xf32>, vector<16xf32>, vector<16xf32>, vector<16xf32>, vector<16xf32>, vector<16xf32>, vector<16xf32>, vector<16xf32>, vector<16xf32>, vector<16xf32>, vector<16xf32>, vector<16xf32>, vector<16xf32>, vector<16xf32>, vector<16xf32>, vector<16xf32>)  : i32 {
        %mul3A_612 = arith.constant 128 : i32
        %mul3A_613 = arith.muli %scan3A_595, %mul3A_612 : i32
        %add3A_614 = arith.constant 0 : i32
        %add3A_615 = arith.addi %mul3A_613, %add3A_614 : i32
        %get3A = arith.constant 1 : i32
        %get3A_616 = arith.index_cast %get3A : i32 to index
        %get3A_617 = arith.index_cast %add3A_615 : i32 to index
        %get3A_618 = tpu.vector_load %arg9[%get3A_616, %get3A_617] {strides = array<i32>} : memref<2x32768xf32, #tpu.memory_space<vmem>>, vector<16xf32>,
        %max3A_619 = arith.maximumf %scan3A_596, %get3A_618 : vector<16xf32>
        %min3A_620 = arith.minimumf %scan3A_596, %get3A_618 : vector<16xf32>
        %max3A_621 = arith.maximumf %scan3A_597, %min3A_620 : vector<16xf32>
        %add3A_622 = arith.constant 16 : i32
        %add3A_623 = arith.addi %mul3A_613, %add3A_622 : i32
        %get3A_624 = arith.constant 1 : i32
        %get3A_625 = arith.index_cast %get3A_624 : i32 to index
        %get3A_626 = arith.index_cast %add3A_623 : i32 to index
        %get3A_627 = tpu.vector_load %arg9[%get3A_625, %get3A_626] {strides = array<i32>} : memref<2x32768xf32, #tpu.memory_space<vmem>>, vector<16xf32>,
        %max3A_628 = arith.maximumf %scan3A_598, %get3A_627 : vector<16xf32>
        %min3A_629 = arith.minimumf %scan3A_598, %get3A_627 : vector<16xf32>
        %max3A_630 = arith.maximumf %scan3A_599, %min3A_629 : vector<16xf32>
        %add3A_631 = arith.constant 32 : i32
        %add3A_632 = arith.addi %mul3A_613, %add3A_631 : i32
        %get3A_633 = arith.constant 1 : i32
        %get3A_634 = arith.index_cast %get3A_633 : i32 to index
        %get3A_635 = arith.index_cast %add3A_632 : i32 to index
        %get3A_636 = tpu.vector_load %arg9[%get3A_634, %get3A_635] {strides = array<i32>} : memref<2x32768xf32, #tpu.memory_space<vmem>>, vector<16xf32>,
        %max3A_637 = arith.maximumf %scan3A_600, %get3A_636 : vector<16xf32>
        %min3A_638 = arith.minimumf %scan3A_600, %get3A_636 : vector<16xf32>
        %max3A_639 = arith.maximumf %scan3A_601, %min3A_638 : vector<16xf32>
        %add3A_640 = arith.constant 48 : i32
        %add3A_641 = arith.addi %mul3A_613, %add3A_640 : i32
        %get3A_642 = arith.constant 1 : i32
        %get3A_643 = arith.index_cast %get3A_642 : i32 to index
        %get3A_644 = arith.index_cast %add3A_641 : i32 to index
        %get3A_645 = tpu.vector_load %arg9[%get3A_643, %get3A_644] {strides = array<i32>} : memref<2x32768xf32, #tpu.memory_space<vmem>>, vector<16xf32>,
        %max3A_646 = arith.maximumf %scan3A_602, %get3A_645 : vector<16xf32>
        %min3A_647 = arith.minimumf %scan3A_602, %get3A_645 : vector<16xf32>
        %max3A_648 = arith.maximumf %scan3A_603, %min3A_647 : vector<16xf32>
        %add3A_649 = arith.constant 64 : i32
        %add3A_650 = arith.addi %mul3A_613, %add3A_649 : i32
        %get3A_651 = arith.constant 1 : i32
        %get3A_652 = arith.index_cast %get3A_651 : i32 to index
        %get3A_653 = arith.index_cast %add3A_650 : i32 to index
        %get3A_654 = tpu.vector_load %arg9[%get3A_652, %get3A_653] {strides = array<i32>} : memref<2x32768xf32, #tpu.memory_space<vmem>>, vector<16xf32>,
        %max3A_655 = arith.maximumf %scan3A_604, %get3A_654 : vector<16xf32>
        %min3A_656 = arith.minimumf %scan3A_604, %get3A_654 : vector<16xf32>
        %max3A_657 = arith.maximumf %scan3A_605, %min3A_656 : vector<16xf32>
        %add3A_658 = arith.constant 80 : i32
        %add3A_659 = arith.addi %mul3A_613, %add3A_658 : i32
        %get3A_660 = arith.constant 1 : i32
        %get3A_661 = arith.index_cast %get3A_660 : i32 to index
        %get3A_662 = arith.index_cast %add3A_659 : i32 to index
        %get3A_663 = tpu.vector_load %arg9[%get3A_661, %get3A_662] {strides = array<i32>} : memref<2x32768xf32, #tpu.memory_space<vmem>>, vector<16xf32>,
        %max3A_664 = arith.maximumf %scan3A_606, %get3A_663 : vector<16xf32>
        %min3A_665 = arith.minimumf %scan3A_606, %get3A_663 : vector<16xf32>
        %max3A_666 = arith.maximumf %scan3A_607, %min3A_665 : vector<16xf32>
        %add3A_667 = arith.constant 96 : i32
        %add3A_668 = arith.addi %mul3A_613, %add3A_667 : i32
        %get3A_669 = arith.constant 1 : i32
        %get3A_670 = arith.index_cast %get3A_669 : i32 to index
        %get3A_671 = arith.index_cast %add3A_668 : i32 to index
        %get3A_672 = tpu.vector_load %arg9[%get3A_670, %get3A_671] {strides = array<i32>} : memref<2x32768xf32, #tpu.memory_space<vmem>>, vector<16xf32>,
        %max3A_673 = arith.maximumf %scan3A_608, %get3A_672 : vector<16xf32>
        %min3A_674 = arith.minimumf %scan3A_608, %get3A_672 : vector<16xf32>
        %max3A_675 = arith.maximumf %scan3A_609, %min3A_674 : vector<16xf32>
        %add3A_676 = arith.constant 112 : i32
        %add3A_677 = arith.addi %mul3A_613, %add3A_676 : i32
        %get3A_678 = arith.constant 1 : i32
        %get3A_679 = arith.index_cast %get3A_678 : i32 to index
        %get3A_680 = arith.index_cast %add3A_677 : i32 to index
        %get3A_681 = tpu.vector_load %arg9[%get3A_679, %get3A_680] {strides = array<i32>} : memref<2x32768xf32, #tpu.memory_space<vmem>>, vector<16xf32>,
        %max3A_682 = arith.maximumf %scan3A_610, %get3A_681 : vector<16xf32>
        %min3A_683 = arith.minimumf %scan3A_610, %get3A_681 : vector<16xf32>
        %max3A_684 = arith.maximumf %scan3A_611, %min3A_683 : vector<16xf32>
        scf.yield %max3A_619, %max3A_621, %max3A_628, %max3A_630, %max3A_637, %max3A_639, %max3A_646, %max3A_648, %max3A_655, %max3A_657, %max3A_664, %max3A_666, %max3A_673, %max3A_675, %max3A_682, %max3A_684 : vector<16xf32>, vector<16xf32>, vector<16xf32>, vector<16xf32>, vector<16xf32>, vector<16xf32>, vector<16xf32>, vector<16xf32>, vector<16xf32>, vector<16xf32>, vector<16xf32>, vector<16xf32>, vector<16xf32>, vector<16xf32>, vector<16xf32>, vector<16xf32>
      }
      %scan3A_503 = arith.constant 128 : i32
      %max3A_504 = arith.maximumf %scan3A_502#1, %scan3A_502#3 : vector<16xf32>
      %min3A_505 = arith.minimumf %scan3A_502#0, %scan3A_502#2 : vector<16xf32>
      %max3A_506 = arith.maximumf %max3A_504, %min3A_505 : vector<16xf32>
      %max3A_507 = arith.maximumf %scan3A_502#0, %scan3A_502#2 : vector<16xf32>
      %max3A_508 = arith.maximumf %max3A_506, %scan3A_502#5 : vector<16xf32>
      %min3A_509 = arith.minimumf %max3A_507, %scan3A_502#4 : vector<16xf32>
      %max3A_510 = arith.maximumf %max3A_508, %min3A_509 : vector<16xf32>
      %max3A_511 = arith.maximumf %max3A_507, %scan3A_502#4 : vector<16xf32>
      %max3A_512 = arith.maximumf %max3A_510, %scan3A_502#7 : vector<16xf32>
      %min3A_513 = arith.minimumf %max3A_511, %scan3A_502#6 : vector<16xf32>
      %max3A_514 = arith.maximumf %max3A_512, %min3A_513 : vector<16xf32>
      %max3A_515 = arith.maximumf %max3A_511, %scan3A_502#6 : vector<16xf32>
      %max3A_516 = arith.maximumf %max3A_514, %scan3A_502#9 : vector<16xf32>
      %min3A_517 = arith.minimumf %max3A_515, %scan3A_502#8 : vector<16xf32>
      %max3A_518 = arith.maximumf %max3A_516, %min3A_517 : vector<16xf32>
      %max3A_519 = arith.maximumf %max3A_515, %scan3A_502#8 : vector<16xf32>
      %max3A_520 = arith.maximumf %max3A_518, %scan3A_502#11 : vector<16xf32>
      %min3A_521 = arith.minimumf %max3A_519, %scan3A_502#10 : vector<16xf32>
      %max3A_522 = arith.maximumf %max3A_520, %min3A_521 : vector<16xf32>
      %max3A_523 = arith.maximumf %max3A_519, %scan3A_502#10 : vector<16xf32>
      %max3A_524 = arith.maximumf %max3A_522, %scan3A_502#13 : vector<16xf32>
      %min3A_525 = arith.minimumf %max3A_523, %scan3A_502#12 : vector<16xf32>
      %max3A_526 = arith.maximumf %max3A_524, %min3A_525 : vector<16xf32>
      %max3A_527 = arith.maximumf %max3A_523, %scan3A_502#12 : vector<16xf32>
      %max3A_528 = arith.maximumf %max3A_526, %scan3A_502#15 : vector<16xf32>
      %min3A_529 = arith.minimumf %max3A_527, %scan3A_502#14 : vector<16xf32>
      %max3A_530 = arith.maximumf %max3A_528, %min3A_529 : vector<16xf32>
      %max3A_531 = arith.maximumf %max3A_527, %scan3A_502#14 : vector<16xf32>
      %reduce_max3A_532 = arith.constant true
      %reduce_max3A_533 = vector.broadcast %reduce_max3A_532 : i1 to vector<16xi1>
      %reduce_max3A_534 = tpu.scan <max>, %max3A_531 masked %reduce_max3A_533 : vector<16xf32>, vector<16xi1> -> vector<16xf32>
      %reduce_max3A_535 = vector.extract %reduce_max3A_534[15] : f32 from vector<16xf32>
      %eq3A_536 = vector.broadcast %reduce_max3A_535 : f32 to vector<16xf32>
      %eq3A_537 = arith.cmpf oeq, %max3A_531, %eq3A_536 : vector<16xf32>
      %all_reduce_population_count3A_538 = tpu.all_reduce %eq3A_537 {dim = 0 : i64, kind = #tpu.reduction_kind<sum>} : vector<16xi1> -> vector<16xi32>
      %reduce_max3A_539 = arith.constant true
      %reduce_max3A_540 = vector.broadcast %reduce_max3A_539 : i1 to vector<16xi1>
      %reduce_max3A_541 = arith.constant -2147483648 : i32
      %reduce_max3A_542 = vector.broadcast %reduce_max3A_541 : i32 to vector<16xi32>
      %reduce_max3A_543 = arith.xori %all_reduce_population_count3A_538, %reduce_max3A_542 : vector<16xi32>
      %reduce_max3A_544 = tpu.scan <max>, %reduce_max3A_543 masked %reduce_max3A_540 : vector<16xi32>, vector<16xi1> -> vector<16xi32>
      %reduce_max3A_545 = arith.xori %reduce_max3A_544, %reduce_max3A_542 : vector<16xi32>
      %reduce_max3A_546 = vector.extract %reduce_max3A_545[15] : i32 from vector<16xi32>
      %jit3A_547 = arith.constant -3.000000e+38 : f32
      %broadcast_in_dim3A_548 = vector.broadcast %jit3A_547 : f32 to vector<16xf32>
      %select_n3A_549 = arith.select %eq3A_537, %broadcast_in_dim3A_548, %max3A_531 : vector<16xi1>, vector<16xf32>
      %reduce_max3A_550 = arith.constant true
      %reduce_max3A_551 = vector.broadcast %reduce_max3A_550 : i1 to vector<16xi1>
      %reduce_max3A_552 = tpu.scan <max>, %select_n3A_549 masked %reduce_max3A_551 : vector<16xf32>, vector<16xi1> -> vector<16xf32>
      %reduce_max3A_553 = vector.extract %reduce_max3A_552[15] : f32 from vector<16xf32>
      %reduce_max3A_554 = arith.constant true
      %reduce_max3A_555 = vector.broadcast %reduce_max3A_554 : i1 to vector<16xi1>
      %reduce_max3A_556 = tpu.scan <max>, %max3A_530 masked %reduce_max3A_555 : vector<16xf32>, vector<16xi1> -> vector<16xf32>
      %reduce_max3A_557 = vector.extract %reduce_max3A_556[15] : f32 from vector<16xf32>
      %max3A_558 = arith.maximumf %reduce_max3A_553, %reduce_max3A_557 : f32
      %ge3A_559 = arith.constant 2 : i32
      %ge3A_560 = arith.cmpi sge, %reduce_max3A_546, %ge3A_559 : i32
      %select_n3A_561 = arith.select %ge3A_560, %reduce_max3A_535, %max3A_558 : f32
      %min3A_562 = arith.constant 16383 : i32
      %min3A_563 = vector.broadcast %min3A_562 : i32 to vector<16xi32>
      %min3A_564 = arith.minsi %gather3A, %min3A_563 : vector<16xi32>
      %broadcast_in_dim3A_565 = arith.constant 1 : i32
      %broadcast_in_dim3A_566 = vector.broadcast %broadcast_in_dim3A_565 : i32 to vector<16xi32>
      %gather3A_567 = tpu.vector_load_idx %arg9[%broadcast_in_dim3A_566, %min3A_564] : memref<2x32768xf32, #tpu.memory_space<vmem>>[vector<16xi32>, vector<16xi32>], vector<16xf32>,
      %max3A_568 = arith.maximumf %max3A_297, %max3A_531 : vector<16xf32>
      %lt3A_569 = arith.constant 16384 : i32
      %lt3A_570 = vector.broadcast %lt3A_569 : i32 to vector<16xi32>
      %lt3A_571 = arith.cmpi slt, %gather3A, %lt3A_570 : vector<16xi32>
      %jit3A_572 = arith.constant 0.000000e+00 : f32
      %broadcast_in_dim3A_573 = vector.broadcast %jit3A_572 : f32 to vector<16xf32>
      %select_n3A_574 = arith.select %lt3A_571, %gather3A_567, %broadcast_in_dim3A_573 : vector<16xi1>, vector<16xf32>
      %eq3A_575 = arith.constant 8 : i32
      %eq3A_576 = vector.broadcast %eq3A_575 : i32 to vector<16xi32>
      %eq3A_577 = arith.cmpi eq, %iota3A, %eq3A_576 : vector<16xi32>
      %broadcast_in_dim3A_578 = vector.broadcast %reduce_max3A_535 : f32 to vector<16xf32>
      %select_n3A_579 = arith.select %eq3A_577, %broadcast_in_dim3A_578, %select_n3A_449 : vector<16xi1>, vector<16xf32>
      %eq3A_580 = arith.constant 9 : i32
      %eq3A_581 = vector.broadcast %eq3A_580 : i32 to vector<16xi32>
      %eq3A_582 = arith.cmpi eq, %iota3A, %eq3A_581 : vector<16xi32>
      %broadcast_in_dim3A_583 = vector.broadcast %select_n3A_561 : f32 to vector<16xf32>
      %select_n3A_584 = arith.select %eq3A_582, %broadcast_in_dim3A_583, %select_n3A_579 : vector<16xi1>, vector<16xf32>
      %eq3A_585 = arith.constant 10 : i32
      %eq3A_586 = vector.broadcast %eq3A_585 : i32 to vector<16xi32>
      %eq3A_587 = arith.cmpi eq, %iota3A, %eq3A_586 : vector<16xi32>
      %select_n3A_588 = arith.select %eq3A_587, %select_n3A_574, %select_n3A_584 : vector<16xi1>, vector<16xf32>
      %swap3A_589 = arith.constant 0 : i32
      %swap3A_590 = arith.index_cast %swap3A_589 : i32 to index
      %swap3A_591 = arith.constant 0 : index
      %swap3A_592 = tpu.vector_load %arg11[%swap3A_590, %swap3A_591] {strides = array<i32>} : memref<1x16xf32, #tpu.memory_space<vmem>>, vector<16xf32>,
      tpu.vector_store %arg11[%swap3A_590, %swap3A_591], %select_n3A_588 {strides = array<i32>} : memref<1x16xf32, #tpu.memory_space<vmem>>, vector<16xf32>,
      %add3A_593 = arith.addi %mul3A_2, %scan3A_26 : i32
      %run_scoped3A_594 = arith.constant 0 : i32
      "tpu.region"() ({
        %run_scoped3A_595 = tpu.sem_alloc : memref<!tpu.dma_semaphore, #tpu.memory_space<semaphore_mem>>
        %dma_start3A_596 = arith.constant 0 : i32
        %dma_start3A_597 = tpu.memref_slice %arg11[%run_scoped3A_594, %dma_start3A_596] : memref<1x16xf32, #tpu.memory_space<vmem>> -> memref<1x16xf32, #tpu.memory_space<vmem>>
        %dma_start3A_598 = tpu.memref_squeeze %dma_start3A_597 : memref<1x16xf32, #tpu.memory_space<vmem>> -> memref<16xf32, #tpu.memory_space<vmem>>
        %dma_start3A_599 = arith.constant 0 : i32
        %dma_start3A_600 = tpu.memref_slice %arg7[%add3A_593, %dma_start3A_599] : memref<128x16xf32, #tpu.memory_space<hbm>> -> memref<1x16xf32, #tpu.memory_space<hbm>>
        %dma_start3A_601 = tpu.memref_squeeze %dma_start3A_600 : memref<1x16xf32, #tpu.memory_space<hbm>> -> memref<16xf32, #tpu.memory_space<hbm>>
        %dma_start3A_602 = arith.constant 0 : i32
        %dma_start3A_603 = tpu.memref_slice %arg7[%add3A_593, %dma_start3A_602] : memref<128x16xf32, #tpu.memory_space<hbm>> -> memref<1x16xf32, #tpu.memory_space<hbm>>
        %dma_start3A_604 = tpu.memref_squeeze %dma_start3A_603 : memref<1x16xf32, #tpu.memory_space<hbm>> -> memref<16xf32, #tpu.memory_space<hbm>>
        %dma_start3A_605 = arith.constant 0 : i32
        %dma_start3A_606 = tpu.memref_slice %arg11[%run_scoped3A_594, %dma_start3A_605] : memref<1x16xf32, #tpu.memory_space<vmem>> -> memref<1x16xf32, #tpu.memory_space<vmem>>
        %dma_start3A_607 = tpu.memref_squeeze %dma_start3A_606 : memref<1x16xf32, #tpu.memory_space<vmem>> -> memref<16xf32, #tpu.memory_space<vmem>>
        tpu.enqueue_dma source(%dma_start3A_607 : memref<16xf32, #tpu.memory_space<vmem>>) target(%dma_start3A_604 : memref<16xf32, #tpu.memory_space<hbm>>) target_semaphore(%run_scoped3A_595 : memref<!tpu.dma_semaphore, #tpu.memory_space<semaphore_mem>>)
        %dma_wait3A_608 = arith.constant 0 : i32
        %dma_wait3A_609 = tpu.memref_slice %arg11[%run_scoped3A_594, %dma_wait3A_608] : memref<1x16xf32, #tpu.memory_space<vmem>> -> memref<1x16xf32, #tpu.memory_space<vmem>>
        %dma_wait3A_610 = tpu.memref_squeeze %dma_wait3A_609 : memref<1x16xf32, #tpu.memory_space<vmem>> -> memref<16xf32, #tpu.memory_space<vmem>>
        %dma_wait3A_611 = arith.constant 0 : i32
        %dma_wait3A_612 = tpu.memref_slice %arg7[%add3A_593, %dma_wait3A_611] : memref<128x16xf32, #tpu.memory_space<hbm>> -> memref<1x16xf32, #tpu.memory_space<hbm>>
        %dma_wait3A_613 = tpu.memref_squeeze %dma_wait3A_612 : memref<1x16xf32, #tpu.memory_space<hbm>> -> memref<16xf32, #tpu.memory_space<hbm>>
        %dma_wait3A_614 = arith.constant 0 : i32
        %dma_wait3A_615 = tpu.memref_slice %arg7[%add3A_593, %dma_wait3A_614] : memref<128x16xf32, #tpu.memory_space<hbm>> -> memref<1x16xf32, #tpu.memory_space<hbm>>
        %dma_wait3A_616 = tpu.memref_squeeze %dma_wait3A_615 : memref<1x16xf32, #tpu.memory_space<hbm>> -> memref<16xf32, #tpu.memory_space<hbm>>
        %dma_wait3A_617 = arith.constant 0 : i32
        %dma_wait3A_618 = tpu.memref_slice %arg11[%run_scoped3A_594, %dma_wait3A_617] : memref<1x16xf32, #tpu.memory_space<vmem>> -> memref<1x16xf32, #tpu.memory_space<vmem>>
        %dma_wait3A_619 = tpu.memref_squeeze %dma_wait3A_618 : memref<1x16xf32, #tpu.memory_space<vmem>> -> memref<16xf32, #tpu.memory_space<vmem>>
        tpu.wait_dma2 semaphore(%run_scoped3A_595 : memref<!tpu.dma_semaphore, #tpu.memory_space<semaphore_mem>>) src(%dma_wait3A_619 : memref<16xf32, #tpu.memory_space<vmem>>) dst(%dma_wait3A_616 : memref<16xf32, #tpu.memory_space<hbm>>)
        tpu.yield
      }) : () -> ()
      scf.yield %max3A_568 : vector<16xf32>
    }
    %scan3A_22 = arith.constant 4 : i32
    %swap3A = arith.constant 0 : i32
    %swap3A_23 = arith.index_cast %swap3A : i32 to index
    %swap3A_24 = arith.constant 0 : index
    %swap3A_25 = tpu.vector_load %arg11[%swap3A_23, %swap3A_24] {strides = array<i32>} : memref<1x16xf32, #tpu.memory_space<vmem>>, vector<16xf32>,
    tpu.vector_store %arg11[%swap3A_23, %swap3A_24], %scan3A_21 {strides = array<i32>} : memref<1x16xf32, #tpu.memory_space<vmem>>, vector<16xf32>,
    %run_scoped3A = arith.constant 0 : i32
    "tpu.region"() ({
      %run_scoped3A_26 = tpu.sem_alloc : memref<!tpu.dma_semaphore, #tpu.memory_space<semaphore_mem>>
      %dma_start3A_27 = arith.constant 0 : i32
      %dma_start3A_28 = tpu.memref_slice %arg11[%run_scoped3A, %dma_start3A_27] : memref<1x16xf32, #tpu.memory_space<vmem>> -> memref<1x16xf32, #tpu.memory_space<vmem>>
      %dma_start3A_29 = tpu.memref_squeeze %dma_start3A_28 : memref<1x16xf32, #tpu.memory_space<vmem>> -> memref<16xf32, #tpu.memory_space<vmem>>
      %dma_start3A_30 = arith.constant 0 : i32
      %dma_start3A_31 = tpu.memref_slice %arg8[%add3A, %dma_start3A_30] : memref<32x16xf32, #tpu.memory_space<hbm>> -> memref<1x16xf32, #tpu.memory_space<hbm>>
      %dma_start3A_32 = tpu.memref_squeeze %dma_start3A_31 : memref<1x16xf32, #tpu.memory_space<hbm>> -> memref<16xf32, #tpu.memory_space<hbm>>
      %dma_start3A_33 = arith.constant 0 : i32
      %dma_start3A_34 = tpu.memref_slice %arg8[%add3A, %dma_start3A_33] : memref<32x16xf32, #tpu.memory_space<hbm>> -> memref<1x16xf32, #tpu.memory_space<hbm>>
      %dma_start3A_35 = tpu.memref_squeeze %dma_start3A_34 : memref<1x16xf32, #tpu.memory_space<hbm>> -> memref<16xf32, #tpu.memory_space<hbm>>
      %dma_start3A_36 = arith.constant 0 : i32
      %dma_start3A_37 = tpu.memref_slice %arg11[%run_scoped3A, %dma_start3A_36] : memref<1x16xf32, #tpu.memory_space<vmem>> -> memref<1x16xf32, #tpu.memory_space<vmem>>
      %dma_start3A_38 = tpu.memref_squeeze %dma_start3A_37 : memref<1x16xf32, #tpu.memory_space<vmem>> -> memref<16xf32, #tpu.memory_space<vmem>>
      tpu.enqueue_dma source(%dma_start3A_38 : memref<16xf32, #tpu.memory_space<vmem>>) target(%dma_start3A_35 : memref<16xf32, #tpu.memory_space<hbm>>) target_semaphore(%run_scoped3A_26 : memref<!tpu.dma_semaphore, #tpu.memory_space<semaphore_mem>>)
      %dma_wait3A = arith.constant 0 : i32
      %dma_wait3A_39 = tpu.memref_slice %arg11[%run_scoped3A, %dma_wait3A] : memref<1x16xf32, #tpu.memory_space<vmem>> -> memref<1x16xf32, #tpu.memory_space<vmem>>
      %dma_wait3A_40 = tpu.memref_squeeze %dma_wait3A_39 : memref<1x16xf32, #tpu.memory_space<vmem>> -> memref<16xf32, #tpu.memory_space<vmem>>
      %dma_wait3A_41 = arith.constant 0 : i32
      %dma_wait3A_42 = tpu.memref_slice %arg8[%add3A, %dma_wait3A_41] : memref<32x16xf32, #tpu.memory_space<hbm>> -> memref<1x16xf32, #tpu.memory_space<hbm>>
      %dma_wait3A_43 = tpu.memref_squeeze %dma_wait3A_42 : memref<1x16xf32, #tpu.memory_space<hbm>> -> memref<16xf32, #tpu.memory_space<hbm>>
      %dma_wait3A_44 = arith.constant 0 : i32
      %dma_wait3A_45 = tpu.memref_slice %arg8[%add3A, %dma_wait3A_44] : memref<32x16xf32, #tpu.memory_space<hbm>> -> memref<1x16xf32, #tpu.memory_space<hbm>>
      %dma_wait3A_46 = tpu.memref_squeeze %dma_wait3A_45 : memref<1x16xf32, #tpu.memory_space<hbm>> -> memref<16xf32, #tpu.memory_space<hbm>>
      %dma_wait3A_47 = arith.constant 0 : i32
      %dma_wait3A_48 = tpu.memref_slice %arg11[%run_scoped3A, %dma_wait3A_47] : memref<1x16xf32, #tpu.memory_space<vmem>> -> memref<1x16xf32, #tpu.memory_space<vmem>>
      %dma_wait3A_49 = tpu.memref_squeeze %dma_wait3A_48 : memref<1x16xf32, #tpu.memory_space<vmem>> -> memref<16xf32, #tpu.memory_space<vmem>>
      tpu.wait_dma2 semaphore(%run_scoped3A_26 : memref<!tpu.dma_semaphore, #tpu.memory_space<semaphore_mem>>) src(%dma_wait3A_49 : memref<16xf32, #tpu.memory_space<vmem>>) dst(%dma_wait3A_46 : memref<16xf32, #tpu.memory_space<hbm>>)
      tpu.yield
    }) : () -> ()
    return
  }
}

module attributes {stable_mosaic.version = 14 : i64} {
  func.func @_tc_body(%arg0: i32, %arg1: memref<128x4096xf32, #tpu.memory_space<vmem>>, %arg2: memref<128x4096xf32, #tpu.memory_space<vmem>>, %arg3: memref<128x4096xf32, #tpu.memory_space<vmem>>, %arg4: memref<128x4096xf32, #tpu.memory_space<vmem>>, %arg5: memref<128x2048xf32, #tpu.memory_space<vmem>>, %arg6: memref<128x1xi32, #tpu.memory_space<vmem>>, %arg7: memref<128x8xf32, #tpu.memory_space<vmem>>, %arg8: memref<128x8xf32, #tpu.memory_space<vmem>>, %arg9: memref<128x8xf32, #tpu.memory_space<vmem>>, %arg10: memref<128x8xf32, #tpu.memory_space<vmem>>, %arg11: memref<128x8xf32, #tpu.memory_space<vmem>>, %arg12: memref<128x8xf32, #tpu.memory_space<vmem>>) attributes {dimension_semantics = [#tpu.dimension_semantics<arbitrary>], iteration_bounds = array<i64: 8>, scalar_prefetch = 0 : i64, scratch_operands = 3 : i64, tpu.core_type = #tpu.core_type<tc>, window_params = [{transform_indices = @transform_0, window_bounds = array<i64: 128, 4096>}, {transform_indices = @transform_1, window_bounds = array<i64: 128, 4096>}, {transform_indices = @transform_2, window_bounds = array<i64: 128, 4096>}, {transform_indices = @transform_3, window_bounds = array<i64: 128, 4096>}, {transform_indices = @transform_4, window_bounds = array<i64: 128, 2048>}, {pipeline_mode = #tpu.pipeline_mode<synchronous>, transform_indices = @transform_5, window_bounds = array<i64: 128, 1>}, {pipeline_mode = #tpu.pipeline_mode<synchronous>, transform_indices = @transform_6, window_bounds = array<i64: 128, 8>}, {pipeline_mode = #tpu.pipeline_mode<synchronous>, transform_indices = @transform_7, window_bounds = array<i64: 128, 8>}, {pipeline_mode = #tpu.pipeline_mode<synchronous>, transform_indices = @transform_8, window_bounds = array<i64: 128, 8>}]} {
    %eq3A = arith.constant 0 : i32
    %eq3A_0 = arith.cmpi eq, %arg0, %eq3A : i32
    %convert_element_type3A = arith.extui %eq3A_0 : i1 to i32
    %cond3A = arith.constant 0 : i32
    %cond3A_1 = arith.cmpi ne, %convert_element_type3A, %cond3A : i32
    scf.if %cond3A_1 {
      %broadcast_in_dim3A_293 = arith.constant -3.000000e+38 : f32
      %broadcast_in_dim3A_294 = vector.broadcast %broadcast_in_dim3A_293 : f32 to vector<128x8xf32>
      %swap3A_295 = arith.constant 0 : index
      %swap3A_296 = arith.constant 0 : index
      %swap3A_297 = vector.load %arg10[%swap3A_295, %swap3A_296] : memref<128x8xf32, #tpu.memory_space<vmem>>, vector<128x8xf32>
      tpu.vector_store %arg10[%swap3A_295, %swap3A_296], %broadcast_in_dim3A_294 {strides = array<i32>} : memref<128x8xf32, #tpu.memory_space<vmem>>, vector<128x8xf32>,
      %broadcast_in_dim3A_298 = arith.constant -3.000000e+38 : f32
      %broadcast_in_dim3A_299 = vector.broadcast %broadcast_in_dim3A_298 : f32 to vector<128x8xf32>
      %swap3A_300 = arith.constant 0 : index
      %swap3A_301 = arith.constant 0 : index
      %swap3A_302 = vector.load %arg11[%swap3A_300, %swap3A_301] : memref<128x8xf32, #tpu.memory_space<vmem>>, vector<128x8xf32>
      tpu.vector_store %arg11[%swap3A_300, %swap3A_301], %broadcast_in_dim3A_299 {strides = array<i32>} : memref<128x8xf32, #tpu.memory_space<vmem>>, vector<128x8xf32>,
      %broadcast_in_dim3A_303 = arith.constant 0.000000e+00 : f32
      %broadcast_in_dim3A_304 = vector.broadcast %broadcast_in_dim3A_303 : f32 to vector<128x8xf32>
      %swap3A_305 = arith.constant 0 : index
      %swap3A_306 = arith.constant 0 : index
      %swap3A_307 = vector.load %arg12[%swap3A_305, %swap3A_306] : memref<128x8xf32, #tpu.memory_space<vmem>>, vector<128x8xf32>
      tpu.vector_store %arg12[%swap3A_305, %swap3A_306], %broadcast_in_dim3A_304 {strides = array<i32>} : memref<128x8xf32, #tpu.memory_space<vmem>>, vector<128x8xf32>,
    } else {
    }
    %get3A = arith.constant 0 : index
    %get3A_2 = arith.constant 0 : index
    %get3A_3 = vector.load %arg6[%get3A, %get3A_2] : memref<128x1xi32, #tpu.memory_space<vmem>>, vector<128x1xi32>
    %get3A_4 = arith.constant 0 : index
    %get3A_5 = arith.constant 0 : index
    %get3A_6 = vector.load %arg1[%get3A_4, %get3A_5] : memref<128x4096xf32, #tpu.memory_space<vmem>>, vector<128x4096xf32>
    %mul3A = arith.constant 4096 : i32
    %mul3A_7 = arith.muli %arg0, %mul3A : i32
    %sub3A = vector.broadcast %mul3A_7 : i32 to vector<128x1xi32>
    %sub3A_8 = arith.subi %get3A_3, %sub3A : vector<128x1xi32>
    %iota3A = tpu.iota {dimensions = array<i32: 1>} : vector<128x4096xi32>
    %reduce_max3A = arith.constant dense<0xFF800000> : vector<128xf32>
    %reduce_max3A_9 = vector.multi_reduction <maximumf>, %get3A_6, %reduce_max3A [1] : vector<128x4096xf32> to vector<128xf32>
    %broadcast_in_dim3A = vector.shape_cast %reduce_max3A_9 : vector<128xf32> to vector<128x1xf32>
    %eq3A_10 = vector.broadcast %broadcast_in_dim3A : vector<128x1xf32> to vector<128x4096xf32>
    %eq3A_11 = arith.cmpf oeq, %get3A_6, %eq3A_10 : vector<128x4096xf32>
    %convert_element_type3A_12 = arith.extui %eq3A_11 : vector<128x4096xi1> to vector<128x4096xi32>
    %convert_element_type3A_13 = arith.sitofp %convert_element_type3A_12 : vector<128x4096xi32> to vector<128x4096xf32>
    %reduce_sum3A = arith.constant dense<0.000000e+00> : vector<128xf32>
    %reduce_sum3A_14 = vector.multi_reduction <add>, %convert_element_type3A_13, %reduce_sum3A [1] : vector<128x4096xf32> to vector<128xf32>
    %broadcast_in_dim3A_15 = vector.shape_cast %reduce_sum3A_14 : vector<128xf32> to vector<128x1xf32>
    %jit3A = arith.constant -3.000000e+38 : f32
    %broadcast_in_dim3A_16 = vector.broadcast %jit3A : f32 to vector<128x4096xf32>
    %select_n3A = arith.select %eq3A_11, %broadcast_in_dim3A_16, %get3A_6 : vector<128x4096xi1>, vector<128x4096xf32>
    %reduce_max3A_17 = arith.constant dense<0xFF800000> : vector<128xf32>
    %reduce_max3A_18 = vector.multi_reduction <maximumf>, %select_n3A, %reduce_max3A_17 [1] : vector<128x4096xf32> to vector<128xf32>
    %broadcast_in_dim3A_19 = vector.shape_cast %reduce_max3A_18 : vector<128xf32> to vector<128x1xf32>
    %ge3A = arith.constant 2.000000e+00 : f32
    %ge3A_20 = vector.broadcast %ge3A : f32 to vector<128x1xf32>
    %ge3A_21 = arith.cmpf oge, %broadcast_in_dim3A_15, %ge3A_20 : vector<128x1xf32>
    %select_n3A_22 = arith.select %ge3A_21, %broadcast_in_dim3A, %broadcast_in_dim3A_19 : vector<128x1xi1>, vector<128x1xf32>
    %eq3A_23 = vector.broadcast %sub3A_8 : vector<128x1xi32> to vector<128x4096xi32>
    %eq3A_24 = arith.cmpi eq, %iota3A, %eq3A_23 : vector<128x4096xi32>
    %jit3A_25 = arith.constant 0.000000e+00 : f32
    %broadcast_in_dim3A_26 = vector.broadcast %jit3A_25 : f32 to vector<128x4096xf32>
    %select_n3A_27 = arith.select %eq3A_24, %get3A_6, %broadcast_in_dim3A_26 : vector<128x4096xi1>, vector<128x4096xf32>
    %reduce_sum3A_28 = arith.constant dense<0.000000e+00> : vector<128xf32>
    %reduce_sum3A_29 = vector.multi_reduction <add>, %select_n3A_27, %reduce_sum3A_28 [1] : vector<128x4096xf32> to vector<128xf32>
    %broadcast_in_dim3A_30 = vector.shape_cast %reduce_sum3A_29 : vector<128xf32> to vector<128x1xf32>
    %get3A_31 = arith.constant 0 : index
    %get3A_32 = arith.constant 0 : index
    %get3A_33 = vector.load %arg10[%get3A_31, %get3A_32] : memref<128x8xf32, #tpu.memory_space<vmem>>, vector<128x1xf32>
    %get3A_34 = arith.constant 0 : index
    %get3A_35 = arith.constant 0 : index
    %get3A_36 = vector.load %arg11[%get3A_34, %get3A_35] : memref<128x8xf32, #tpu.memory_space<vmem>>, vector<128x1xf32>
    %max3A = arith.maximumf %get3A_36, %select_n3A_22 : vector<128x1xf32>
    %min3A = arith.minimumf %get3A_33, %broadcast_in_dim3A : vector<128x1xf32>
    %max3A_37 = arith.maximumf %max3A, %min3A : vector<128x1xf32>
    %swap3A = arith.constant 0 : index
    %swap3A_38 = arith.constant 0 : index
    %swap3A_39 = vector.load %arg11[%swap3A, %swap3A_38] : memref<128x8xf32, #tpu.memory_space<vmem>>, vector<128x1xf32>
    tpu.vector_store %arg11[%swap3A, %swap3A_38], %max3A_37 {strides = array<i32>} : memref<128x8xf32, #tpu.memory_space<vmem>>, vector<128x1xf32>,
    %max3A_40 = arith.maximumf %get3A_33, %broadcast_in_dim3A : vector<128x1xf32>
    %swap3A_41 = arith.constant 0 : index
    %swap3A_42 = arith.constant 0 : index
    %swap3A_43 = vector.load %arg10[%swap3A_41, %swap3A_42] : memref<128x8xf32, #tpu.memory_space<vmem>>, vector<128x1xf32>
    tpu.vector_store %arg10[%swap3A_41, %swap3A_42], %max3A_40 {strides = array<i32>} : memref<128x8xf32, #tpu.memory_space<vmem>>, vector<128x1xf32>,
    %get3A_44 = arith.constant 0 : index
    %get3A_45 = arith.constant 0 : index
    %get3A_46 = vector.load %arg12[%get3A_44, %get3A_45] : memref<128x8xf32, #tpu.memory_space<vmem>>, vector<128x1xf32>
    %add3A = arith.addf %get3A_46, %broadcast_in_dim3A_30 : vector<128x1xf32>
    %swap3A_47 = arith.constant 0 : index
    %swap3A_48 = arith.constant 0 : index
    %swap3A_49 = vector.load %arg12[%swap3A_47, %swap3A_48] : memref<128x8xf32, #tpu.memory_space<vmem>>, vector<128x1xf32>
    tpu.vector_store %arg12[%swap3A_47, %swap3A_48], %add3A {strides = array<i32>} : memref<128x8xf32, #tpu.memory_space<vmem>>, vector<128x1xf32>,
    %get3A_50 = arith.constant 0 : index
    %get3A_51 = arith.constant 0 : index
    %get3A_52 = vector.load %arg2[%get3A_50, %get3A_51] : memref<128x4096xf32, #tpu.memory_space<vmem>>, vector<128x4096xf32>
    %mul3A_53 = arith.constant 4096 : i32
    %mul3A_54 = arith.muli %arg0, %mul3A_53 : i32
    %sub3A_55 = vector.broadcast %mul3A_54 : i32 to vector<128x1xi32>
    %sub3A_56 = arith.subi %get3A_3, %sub3A_55 : vector<128x1xi32>
    %iota3A_57 = tpu.iota {dimensions = array<i32: 1>} : vector<128x4096xi32>
    %reduce_max3A_58 = arith.constant dense<0xFF800000> : vector<128xf32>
    %reduce_max3A_59 = vector.multi_reduction <maximumf>, %get3A_52, %reduce_max3A_58 [1] : vector<128x4096xf32> to vector<128xf32>
    %broadcast_in_dim3A_60 = vector.shape_cast %reduce_max3A_59 : vector<128xf32> to vector<128x1xf32>
    %eq3A_61 = vector.broadcast %broadcast_in_dim3A_60 : vector<128x1xf32> to vector<128x4096xf32>
    %eq3A_62 = arith.cmpf oeq, %get3A_52, %eq3A_61 : vector<128x4096xf32>
    %convert_element_type3A_63 = arith.extui %eq3A_62 : vector<128x4096xi1> to vector<128x4096xi32>
    %convert_element_type3A_64 = arith.sitofp %convert_element_type3A_63 : vector<128x4096xi32> to vector<128x4096xf32>
    %reduce_sum3A_65 = arith.constant dense<0.000000e+00> : vector<128xf32>
    %reduce_sum3A_66 = vector.multi_reduction <add>, %convert_element_type3A_64, %reduce_sum3A_65 [1] : vector<128x4096xf32> to vector<128xf32>
    %broadcast_in_dim3A_67 = vector.shape_cast %reduce_sum3A_66 : vector<128xf32> to vector<128x1xf32>
    %jit3A_68 = arith.constant -3.000000e+38 : f32
    %broadcast_in_dim3A_69 = vector.broadcast %jit3A_68 : f32 to vector<128x4096xf32>
    %select_n3A_70 = arith.select %eq3A_62, %broadcast_in_dim3A_69, %get3A_52 : vector<128x4096xi1>, vector<128x4096xf32>
    %reduce_max3A_71 = arith.constant dense<0xFF800000> : vector<128xf32>
    %reduce_max3A_72 = vector.multi_reduction <maximumf>, %select_n3A_70, %reduce_max3A_71 [1] : vector<128x4096xf32> to vector<128xf32>
    %broadcast_in_dim3A_73 = vector.shape_cast %reduce_max3A_72 : vector<128xf32> to vector<128x1xf32>
    %ge3A_74 = arith.constant 2.000000e+00 : f32
    %ge3A_75 = vector.broadcast %ge3A_74 : f32 to vector<128x1xf32>
    %ge3A_76 = arith.cmpf oge, %broadcast_in_dim3A_67, %ge3A_75 : vector<128x1xf32>
    %select_n3A_77 = arith.select %ge3A_76, %broadcast_in_dim3A_60, %broadcast_in_dim3A_73 : vector<128x1xi1>, vector<128x1xf32>
    %eq3A_78 = vector.broadcast %sub3A_56 : vector<128x1xi32> to vector<128x4096xi32>
    %eq3A_79 = arith.cmpi eq, %iota3A_57, %eq3A_78 : vector<128x4096xi32>
    %jit3A_80 = arith.constant 0.000000e+00 : f32
    %broadcast_in_dim3A_81 = vector.broadcast %jit3A_80 : f32 to vector<128x4096xf32>
    %select_n3A_82 = arith.select %eq3A_79, %get3A_52, %broadcast_in_dim3A_81 : vector<128x4096xi1>, vector<128x4096xf32>
    %reduce_sum3A_83 = arith.constant dense<0.000000e+00> : vector<128xf32>
    %reduce_sum3A_84 = vector.multi_reduction <add>, %select_n3A_82, %reduce_sum3A_83 [1] : vector<128x4096xf32> to vector<128xf32>
    %broadcast_in_dim3A_85 = vector.shape_cast %reduce_sum3A_84 : vector<128xf32> to vector<128x1xf32>
    %get3A_86 = arith.constant 0 : index
    %get3A_87 = arith.constant 1 : index
    %get3A_88 = vector.load %arg10[%get3A_86, %get3A_87] : memref<128x8xf32, #tpu.memory_space<vmem>>, vector<128x1xf32>
    %get3A_89 = arith.constant 0 : index
    %get3A_90 = arith.constant 1 : index
    %get3A_91 = vector.load %arg11[%get3A_89, %get3A_90] : memref<128x8xf32, #tpu.memory_space<vmem>>, vector<128x1xf32>
    %max3A_92 = arith.maximumf %get3A_91, %select_n3A_77 : vector<128x1xf32>
    %min3A_93 = arith.minimumf %get3A_88, %broadcast_in_dim3A_60 : vector<128x1xf32>
    %max3A_94 = arith.maximumf %max3A_92, %min3A_93 : vector<128x1xf32>
    %swap3A_95 = arith.constant 0 : index
    %swap3A_96 = arith.constant 1 : index
    %swap3A_97 = vector.load %arg11[%swap3A_95, %swap3A_96] : memref<128x8xf32, #tpu.memory_space<vmem>>, vector<128x1xf32>
    tpu.vector_store %arg11[%swap3A_95, %swap3A_96], %max3A_94 {strides = array<i32>} : memref<128x8xf32, #tpu.memory_space<vmem>>, vector<128x1xf32>,
    %max3A_98 = arith.maximumf %get3A_88, %broadcast_in_dim3A_60 : vector<128x1xf32>
    %swap3A_99 = arith.constant 0 : index
    %swap3A_100 = arith.constant 1 : index
    %swap3A_101 = vector.load %arg10[%swap3A_99, %swap3A_100] : memref<128x8xf32, #tpu.memory_space<vmem>>, vector<128x1xf32>
    tpu.vector_store %arg10[%swap3A_99, %swap3A_100], %max3A_98 {strides = array<i32>} : memref<128x8xf32, #tpu.memory_space<vmem>>, vector<128x1xf32>,
    %get3A_102 = arith.constant 0 : index
    %get3A_103 = arith.constant 1 : index
    %get3A_104 = vector.load %arg12[%get3A_102, %get3A_103] : memref<128x8xf32, #tpu.memory_space<vmem>>, vector<128x1xf32>
    %add3A_105 = arith.addf %get3A_104, %broadcast_in_dim3A_85 : vector<128x1xf32>
    %swap3A_106 = arith.constant 0 : index
    %swap3A_107 = arith.constant 1 : index
    %swap3A_108 = vector.load %arg12[%swap3A_106, %swap3A_107] : memref<128x8xf32, #tpu.memory_space<vmem>>, vector<128x1xf32>
    tpu.vector_store %arg12[%swap3A_106, %swap3A_107], %add3A_105 {strides = array<i32>} : memref<128x8xf32, #tpu.memory_space<vmem>>, vector<128x1xf32>,
    %get3A_109 = arith.constant 0 : index
    %get3A_110 = arith.constant 0 : index
    %get3A_111 = vector.load %arg3[%get3A_109, %get3A_110] : memref<128x4096xf32, #tpu.memory_space<vmem>>, vector<128x4096xf32>
    %mul3A_112 = arith.constant 4096 : i32
    %mul3A_113 = arith.muli %arg0, %mul3A_112 : i32
    %sub3A_114 = vector.broadcast %mul3A_113 : i32 to vector<128x1xi32>
    %sub3A_115 = arith.subi %get3A_3, %sub3A_114 : vector<128x1xi32>
    %iota3A_116 = tpu.iota {dimensions = array<i32: 1>} : vector<128x4096xi32>
    %reduce_max3A_117 = arith.constant dense<0xFF800000> : vector<128xf32>
    %reduce_max3A_118 = vector.multi_reduction <maximumf>, %get3A_111, %reduce_max3A_117 [1] : vector<128x4096xf32> to vector<128xf32>
    %broadcast_in_dim3A_119 = vector.shape_cast %reduce_max3A_118 : vector<128xf32> to vector<128x1xf32>
    %eq3A_120 = vector.broadcast %broadcast_in_dim3A_119 : vector<128x1xf32> to vector<128x4096xf32>
    %eq3A_121 = arith.cmpf oeq, %get3A_111, %eq3A_120 : vector<128x4096xf32>
    %convert_element_type3A_122 = arith.extui %eq3A_121 : vector<128x4096xi1> to vector<128x4096xi32>
    %convert_element_type3A_123 = arith.sitofp %convert_element_type3A_122 : vector<128x4096xi32> to vector<128x4096xf32>
    %reduce_sum3A_124 = arith.constant dense<0.000000e+00> : vector<128xf32>
    %reduce_sum3A_125 = vector.multi_reduction <add>, %convert_element_type3A_123, %reduce_sum3A_124 [1] : vector<128x4096xf32> to vector<128xf32>
    %broadcast_in_dim3A_126 = vector.shape_cast %reduce_sum3A_125 : vector<128xf32> to vector<128x1xf32>
    %jit3A_127 = arith.constant -3.000000e+38 : f32
    %broadcast_in_dim3A_128 = vector.broadcast %jit3A_127 : f32 to vector<128x4096xf32>
    %select_n3A_129 = arith.select %eq3A_121, %broadcast_in_dim3A_128, %get3A_111 : vector<128x4096xi1>, vector<128x4096xf32>
    %reduce_max3A_130 = arith.constant dense<0xFF800000> : vector<128xf32>
    %reduce_max3A_131 = vector.multi_reduction <maximumf>, %select_n3A_129, %reduce_max3A_130 [1] : vector<128x4096xf32> to vector<128xf32>
    %broadcast_in_dim3A_132 = vector.shape_cast %reduce_max3A_131 : vector<128xf32> to vector<128x1xf32>
    %ge3A_133 = arith.constant 2.000000e+00 : f32
    %ge3A_134 = vector.broadcast %ge3A_133 : f32 to vector<128x1xf32>
    %ge3A_135 = arith.cmpf oge, %broadcast_in_dim3A_126, %ge3A_134 : vector<128x1xf32>
    %select_n3A_136 = arith.select %ge3A_135, %broadcast_in_dim3A_119, %broadcast_in_dim3A_132 : vector<128x1xi1>, vector<128x1xf32>
    %eq3A_137 = vector.broadcast %sub3A_115 : vector<128x1xi32> to vector<128x4096xi32>
    %eq3A_138 = arith.cmpi eq, %iota3A_116, %eq3A_137 : vector<128x4096xi32>
    %jit3A_139 = arith.constant 0.000000e+00 : f32
    %broadcast_in_dim3A_140 = vector.broadcast %jit3A_139 : f32 to vector<128x4096xf32>
    %select_n3A_141 = arith.select %eq3A_138, %get3A_111, %broadcast_in_dim3A_140 : vector<128x4096xi1>, vector<128x4096xf32>
    %reduce_sum3A_142 = arith.constant dense<0.000000e+00> : vector<128xf32>
    %reduce_sum3A_143 = vector.multi_reduction <add>, %select_n3A_141, %reduce_sum3A_142 [1] : vector<128x4096xf32> to vector<128xf32>
    %broadcast_in_dim3A_144 = vector.shape_cast %reduce_sum3A_143 : vector<128xf32> to vector<128x1xf32>
    %get3A_145 = arith.constant 0 : index
    %get3A_146 = arith.constant 2 : index
    %get3A_147 = vector.load %arg10[%get3A_145, %get3A_146] : memref<128x8xf32, #tpu.memory_space<vmem>>, vector<128x1xf32>
    %get3A_148 = arith.constant 0 : index
    %get3A_149 = arith.constant 2 : index
    %get3A_150 = vector.load %arg11[%get3A_148, %get3A_149] : memref<128x8xf32, #tpu.memory_space<vmem>>, vector<128x1xf32>
    %max3A_151 = arith.maximumf %get3A_150, %select_n3A_136 : vector<128x1xf32>
    %min3A_152 = arith.minimumf %get3A_147, %broadcast_in_dim3A_119 : vector<128x1xf32>
    %max3A_153 = arith.maximumf %max3A_151, %min3A_152 : vector<128x1xf32>
    %swap3A_154 = arith.constant 0 : index
    %swap3A_155 = arith.constant 2 : index
    %swap3A_156 = vector.load %arg11[%swap3A_154, %swap3A_155] : memref<128x8xf32, #tpu.memory_space<vmem>>, vector<128x1xf32>
    tpu.vector_store %arg11[%swap3A_154, %swap3A_155], %max3A_153 {strides = array<i32>} : memref<128x8xf32, #tpu.memory_space<vmem>>, vector<128x1xf32>,
    %max3A_157 = arith.maximumf %get3A_147, %broadcast_in_dim3A_119 : vector<128x1xf32>
    %swap3A_158 = arith.constant 0 : index
    %swap3A_159 = arith.constant 2 : index
    %swap3A_160 = vector.load %arg10[%swap3A_158, %swap3A_159] : memref<128x8xf32, #tpu.memory_space<vmem>>, vector<128x1xf32>
    tpu.vector_store %arg10[%swap3A_158, %swap3A_159], %max3A_157 {strides = array<i32>} : memref<128x8xf32, #tpu.memory_space<vmem>>, vector<128x1xf32>,
    %get3A_161 = arith.constant 0 : index
    %get3A_162 = arith.constant 2 : index
    %get3A_163 = vector.load %arg12[%get3A_161, %get3A_162] : memref<128x8xf32, #tpu.memory_space<vmem>>, vector<128x1xf32>
    %add3A_164 = arith.addf %get3A_163, %broadcast_in_dim3A_144 : vector<128x1xf32>
    %swap3A_165 = arith.constant 0 : index
    %swap3A_166 = arith.constant 2 : index
    %swap3A_167 = vector.load %arg12[%swap3A_165, %swap3A_166] : memref<128x8xf32, #tpu.memory_space<vmem>>, vector<128x1xf32>
    tpu.vector_store %arg12[%swap3A_165, %swap3A_166], %add3A_164 {strides = array<i32>} : memref<128x8xf32, #tpu.memory_space<vmem>>, vector<128x1xf32>,
    %get3A_168 = arith.constant 0 : index
    %get3A_169 = arith.constant 0 : index
    %get3A_170 = vector.load %arg4[%get3A_168, %get3A_169] : memref<128x4096xf32, #tpu.memory_space<vmem>>, vector<128x4096xf32>
    %mul3A_171 = arith.constant 4096 : i32
    %mul3A_172 = arith.muli %arg0, %mul3A_171 : i32
    %sub3A_173 = vector.broadcast %mul3A_172 : i32 to vector<128x1xi32>
    %sub3A_174 = arith.subi %get3A_3, %sub3A_173 : vector<128x1xi32>
    %iota3A_175 = tpu.iota {dimensions = array<i32: 1>} : vector<128x4096xi32>
    %reduce_max3A_176 = arith.constant dense<0xFF800000> : vector<128xf32>
    %reduce_max3A_177 = vector.multi_reduction <maximumf>, %get3A_170, %reduce_max3A_176 [1] : vector<128x4096xf32> to vector<128xf32>
    %broadcast_in_dim3A_178 = vector.shape_cast %reduce_max3A_177 : vector<128xf32> to vector<128x1xf32>
    %eq3A_179 = vector.broadcast %broadcast_in_dim3A_178 : vector<128x1xf32> to vector<128x4096xf32>
    %eq3A_180 = arith.cmpf oeq, %get3A_170, %eq3A_179 : vector<128x4096xf32>
    %convert_element_type3A_181 = arith.extui %eq3A_180 : vector<128x4096xi1> to vector<128x4096xi32>
    %convert_element_type3A_182 = arith.sitofp %convert_element_type3A_181 : vector<128x4096xi32> to vector<128x4096xf32>
    %reduce_sum3A_183 = arith.constant dense<0.000000e+00> : vector<128xf32>
    %reduce_sum3A_184 = vector.multi_reduction <add>, %convert_element_type3A_182, %reduce_sum3A_183 [1] : vector<128x4096xf32> to vector<128xf32>
    %broadcast_in_dim3A_185 = vector.shape_cast %reduce_sum3A_184 : vector<128xf32> to vector<128x1xf32>
    %jit3A_186 = arith.constant -3.000000e+38 : f32
    %broadcast_in_dim3A_187 = vector.broadcast %jit3A_186 : f32 to vector<128x4096xf32>
    %select_n3A_188 = arith.select %eq3A_180, %broadcast_in_dim3A_187, %get3A_170 : vector<128x4096xi1>, vector<128x4096xf32>
    %reduce_max3A_189 = arith.constant dense<0xFF800000> : vector<128xf32>
    %reduce_max3A_190 = vector.multi_reduction <maximumf>, %select_n3A_188, %reduce_max3A_189 [1] : vector<128x4096xf32> to vector<128xf32>
    %broadcast_in_dim3A_191 = vector.shape_cast %reduce_max3A_190 : vector<128xf32> to vector<128x1xf32>
    %ge3A_192 = arith.constant 2.000000e+00 : f32
    %ge3A_193 = vector.broadcast %ge3A_192 : f32 to vector<128x1xf32>
    %ge3A_194 = arith.cmpf oge, %broadcast_in_dim3A_185, %ge3A_193 : vector<128x1xf32>
    %select_n3A_195 = arith.select %ge3A_194, %broadcast_in_dim3A_178, %broadcast_in_dim3A_191 : vector<128x1xi1>, vector<128x1xf32>
    %eq3A_196 = vector.broadcast %sub3A_174 : vector<128x1xi32> to vector<128x4096xi32>
    %eq3A_197 = arith.cmpi eq, %iota3A_175, %eq3A_196 : vector<128x4096xi32>
    %jit3A_198 = arith.constant 0.000000e+00 : f32
    %broadcast_in_dim3A_199 = vector.broadcast %jit3A_198 : f32 to vector<128x4096xf32>
    %select_n3A_200 = arith.select %eq3A_197, %get3A_170, %broadcast_in_dim3A_199 : vector<128x4096xi1>, vector<128x4096xf32>
    %reduce_sum3A_201 = arith.constant dense<0.000000e+00> : vector<128xf32>
    %reduce_sum3A_202 = vector.multi_reduction <add>, %select_n3A_200, %reduce_sum3A_201 [1] : vector<128x4096xf32> to vector<128xf32>
    %broadcast_in_dim3A_203 = vector.shape_cast %reduce_sum3A_202 : vector<128xf32> to vector<128x1xf32>
    %get3A_204 = arith.constant 0 : index
    %get3A_205 = arith.constant 3 : index
    %get3A_206 = vector.load %arg10[%get3A_204, %get3A_205] : memref<128x8xf32, #tpu.memory_space<vmem>>, vector<128x1xf32>
    %get3A_207 = arith.constant 0 : index
    %get3A_208 = arith.constant 3 : index
    %get3A_209 = vector.load %arg11[%get3A_207, %get3A_208] : memref<128x8xf32, #tpu.memory_space<vmem>>, vector<128x1xf32>
    %max3A_210 = arith.maximumf %get3A_209, %select_n3A_195 : vector<128x1xf32>
    %min3A_211 = arith.minimumf %get3A_206, %broadcast_in_dim3A_178 : vector<128x1xf32>
    %max3A_212 = arith.maximumf %max3A_210, %min3A_211 : vector<128x1xf32>
    %swap3A_213 = arith.constant 0 : index
    %swap3A_214 = arith.constant 3 : index
    %swap3A_215 = vector.load %arg11[%swap3A_213, %swap3A_214] : memref<128x8xf32, #tpu.memory_space<vmem>>, vector<128x1xf32>
    tpu.vector_store %arg11[%swap3A_213, %swap3A_214], %max3A_212 {strides = array<i32>} : memref<128x8xf32, #tpu.memory_space<vmem>>, vector<128x1xf32>,
    %max3A_216 = arith.maximumf %get3A_206, %broadcast_in_dim3A_178 : vector<128x1xf32>
    %swap3A_217 = arith.constant 0 : index
    %swap3A_218 = arith.constant 3 : index
    %swap3A_219 = vector.load %arg10[%swap3A_217, %swap3A_218] : memref<128x8xf32, #tpu.memory_space<vmem>>, vector<128x1xf32>
    tpu.vector_store %arg10[%swap3A_217, %swap3A_218], %max3A_216 {strides = array<i32>} : memref<128x8xf32, #tpu.memory_space<vmem>>, vector<128x1xf32>,
    %get3A_220 = arith.constant 0 : index
    %get3A_221 = arith.constant 3 : index
    %get3A_222 = vector.load %arg12[%get3A_220, %get3A_221] : memref<128x8xf32, #tpu.memory_space<vmem>>, vector<128x1xf32>
    %add3A_223 = arith.addf %get3A_222, %broadcast_in_dim3A_203 : vector<128x1xf32>
    %swap3A_224 = arith.constant 0 : index
    %swap3A_225 = arith.constant 3 : index
    %swap3A_226 = vector.load %arg12[%swap3A_224, %swap3A_225] : memref<128x8xf32, #tpu.memory_space<vmem>>, vector<128x1xf32>
    tpu.vector_store %arg12[%swap3A_224, %swap3A_225], %add3A_223 {strides = array<i32>} : memref<128x8xf32, #tpu.memory_space<vmem>>, vector<128x1xf32>,
    %get3A_227 = arith.constant 0 : index
    %get3A_228 = arith.constant 0 : index
    %get3A_229 = vector.load %arg5[%get3A_227, %get3A_228] : memref<128x2048xf32, #tpu.memory_space<vmem>>, vector<128x2048xf32>
    %mul3A_230 = arith.constant 2048 : i32
    %mul3A_231 = arith.muli %arg0, %mul3A_230 : i32
    %add3A_232 = arith.constant 16384 : i32
    %add3A_233 = arith.addi %add3A_232, %mul3A_231 : i32
    %sub3A_234 = vector.broadcast %add3A_233 : i32 to vector<128x1xi32>
    %sub3A_235 = arith.subi %get3A_3, %sub3A_234 : vector<128x1xi32>
    %iota3A_236 = tpu.iota {dimensions = array<i32: 1>} : vector<128x2048xi32>
    %reduce_max3A_237 = arith.constant dense<0xFF800000> : vector<128xf32>
    %reduce_max3A_238 = vector.multi_reduction <maximumf>, %get3A_229, %reduce_max3A_237 [1] : vector<128x2048xf32> to vector<128xf32>
    %broadcast_in_dim3A_239 = vector.shape_cast %reduce_max3A_238 : vector<128xf32> to vector<128x1xf32>
    %eq3A_240 = vector.broadcast %broadcast_in_dim3A_239 : vector<128x1xf32> to vector<128x2048xf32>
    %eq3A_241 = arith.cmpf oeq, %get3A_229, %eq3A_240 : vector<128x2048xf32>
    %convert_element_type3A_242 = arith.extui %eq3A_241 : vector<128x2048xi1> to vector<128x2048xi32>
    %convert_element_type3A_243 = arith.sitofp %convert_element_type3A_242 : vector<128x2048xi32> to vector<128x2048xf32>
    %reduce_sum3A_244 = arith.constant dense<0.000000e+00> : vector<128xf32>
    %reduce_sum3A_245 = vector.multi_reduction <add>, %convert_element_type3A_243, %reduce_sum3A_244 [1] : vector<128x2048xf32> to vector<128xf32>
    %broadcast_in_dim3A_246 = vector.shape_cast %reduce_sum3A_245 : vector<128xf32> to vector<128x1xf32>
    %jit3A_247 = arith.constant -3.000000e+38 : f32
    %broadcast_in_dim3A_248 = vector.broadcast %jit3A_247 : f32 to vector<128x2048xf32>
    %select_n3A_249 = arith.select %eq3A_241, %broadcast_in_dim3A_248, %get3A_229 : vector<128x2048xi1>, vector<128x2048xf32>
    %reduce_max3A_250 = arith.constant dense<0xFF800000> : vector<128xf32>
    %reduce_max3A_251 = vector.multi_reduction <maximumf>, %select_n3A_249, %reduce_max3A_250 [1] : vector<128x2048xf32> to vector<128xf32>
    %broadcast_in_dim3A_252 = vector.shape_cast %reduce_max3A_251 : vector<128xf32> to vector<128x1xf32>
    %ge3A_253 = arith.constant 2.000000e+00 : f32
    %ge3A_254 = vector.broadcast %ge3A_253 : f32 to vector<128x1xf32>
    %ge3A_255 = arith.cmpf oge, %broadcast_in_dim3A_246, %ge3A_254 : vector<128x1xf32>
    %select_n3A_256 = arith.select %ge3A_255, %broadcast_in_dim3A_239, %broadcast_in_dim3A_252 : vector<128x1xi1>, vector<128x1xf32>
    %eq3A_257 = vector.broadcast %sub3A_235 : vector<128x1xi32> to vector<128x2048xi32>
    %eq3A_258 = arith.cmpi eq, %iota3A_236, %eq3A_257 : vector<128x2048xi32>
    %jit3A_259 = arith.constant 0.000000e+00 : f32
    %broadcast_in_dim3A_260 = vector.broadcast %jit3A_259 : f32 to vector<128x2048xf32>
    %select_n3A_261 = arith.select %eq3A_258, %get3A_229, %broadcast_in_dim3A_260 : vector<128x2048xi1>, vector<128x2048xf32>
    %reduce_sum3A_262 = arith.constant dense<0.000000e+00> : vector<128xf32>
    %reduce_sum3A_263 = vector.multi_reduction <add>, %select_n3A_261, %reduce_sum3A_262 [1] : vector<128x2048xf32> to vector<128xf32>
    %broadcast_in_dim3A_264 = vector.shape_cast %reduce_sum3A_263 : vector<128xf32> to vector<128x1xf32>
    %get3A_265 = arith.constant 0 : index
    %get3A_266 = arith.constant 4 : index
    %get3A_267 = vector.load %arg10[%get3A_265, %get3A_266] : memref<128x8xf32, #tpu.memory_space<vmem>>, vector<128x1xf32>
    %get3A_268 = arith.constant 0 : index
    %get3A_269 = arith.constant 4 : index
    %get3A_270 = vector.load %arg11[%get3A_268, %get3A_269] : memref<128x8xf32, #tpu.memory_space<vmem>>, vector<128x1xf32>
    %max3A_271 = arith.maximumf %get3A_270, %select_n3A_256 : vector<128x1xf32>
    %min3A_272 = arith.minimumf %get3A_267, %broadcast_in_dim3A_239 : vector<128x1xf32>
    %max3A_273 = arith.maximumf %max3A_271, %min3A_272 : vector<128x1xf32>
    %swap3A_274 = arith.constant 0 : index
    %swap3A_275 = arith.constant 4 : index
    %swap3A_276 = vector.load %arg11[%swap3A_274, %swap3A_275] : memref<128x8xf32, #tpu.memory_space<vmem>>, vector<128x1xf32>
    tpu.vector_store %arg11[%swap3A_274, %swap3A_275], %max3A_273 {strides = array<i32>} : memref<128x8xf32, #tpu.memory_space<vmem>>, vector<128x1xf32>,
    %max3A_277 = arith.maximumf %get3A_267, %broadcast_in_dim3A_239 : vector<128x1xf32>
    %swap3A_278 = arith.constant 0 : index
    %swap3A_279 = arith.constant 4 : index
    %swap3A_280 = vector.load %arg10[%swap3A_278, %swap3A_279] : memref<128x8xf32, #tpu.memory_space<vmem>>, vector<128x1xf32>
    tpu.vector_store %arg10[%swap3A_278, %swap3A_279], %max3A_277 {strides = array<i32>} : memref<128x8xf32, #tpu.memory_space<vmem>>, vector<128x1xf32>,
    %get3A_281 = arith.constant 0 : index
    %get3A_282 = arith.constant 4 : index
    %get3A_283 = vector.load %arg12[%get3A_281, %get3A_282] : memref<128x8xf32, #tpu.memory_space<vmem>>, vector<128x1xf32>
    %add3A_284 = arith.addf %get3A_283, %broadcast_in_dim3A_264 : vector<128x1xf32>
    %swap3A_285 = arith.constant 0 : index
    %swap3A_286 = arith.constant 4 : index
    %swap3A_287 = vector.load %arg12[%swap3A_285, %swap3A_286] : memref<128x8xf32, #tpu.memory_space<vmem>>, vector<128x1xf32>
    tpu.vector_store %arg12[%swap3A_285, %swap3A_286], %add3A_284 {strides = array<i32>} : memref<128x8xf32, #tpu.memory_space<vmem>>, vector<128x1xf32>,
    %eq3A_288 = arith.constant 7 : i32
    %eq3A_289 = arith.cmpi eq, %arg0, %eq3A_288 : i32
    %convert_element_type3A_290 = arith.extui %eq3A_289 : i1 to i32
    %cond3A_291 = arith.constant 0 : i32
    %cond3A_292 = arith.cmpi ne, %convert_element_type3A_290, %cond3A_291 : i32
    scf.if %cond3A_292 {
      %get3A_293 = arith.constant 0 : index
      %get3A_294 = arith.constant 0 : index
      %get3A_295 = vector.load %arg10[%get3A_293, %get3A_294] : memref<128x8xf32, #tpu.memory_space<vmem>>, vector<128x8xf32>
      %swap3A_296 = arith.constant 0 : index
      %swap3A_297 = arith.constant 0 : index
      %swap3A_298 = vector.load %arg7[%swap3A_296, %swap3A_297] : memref<128x8xf32, #tpu.memory_space<vmem>>, vector<128x8xf32>
      tpu.vector_store %arg7[%swap3A_296, %swap3A_297], %get3A_295 {strides = array<i32>} : memref<128x8xf32, #tpu.memory_space<vmem>>, vector<128x8xf32>,
      %get3A_299 = arith.constant 0 : index
      %get3A_300 = arith.constant 0 : index
      %get3A_301 = vector.load %arg11[%get3A_299, %get3A_300] : memref<128x8xf32, #tpu.memory_space<vmem>>, vector<128x8xf32>
      %swap3A_302 = arith.constant 0 : index
      %swap3A_303 = arith.constant 0 : index
      %swap3A_304 = vector.load %arg8[%swap3A_302, %swap3A_303] : memref<128x8xf32, #tpu.memory_space<vmem>>, vector<128x8xf32>
      tpu.vector_store %arg8[%swap3A_302, %swap3A_303], %get3A_301 {strides = array<i32>} : memref<128x8xf32, #tpu.memory_space<vmem>>, vector<128x8xf32>,
      %get3A_305 = arith.constant 0 : index
      %get3A_306 = arith.constant 0 : index
      %get3A_307 = vector.load %arg12[%get3A_305, %get3A_306] : memref<128x8xf32, #tpu.memory_space<vmem>>, vector<128x8xf32>
      %swap3A_308 = arith.constant 0 : index
      %swap3A_309 = arith.constant 0 : index
      %swap3A_310 = vector.load %arg9[%swap3A_308, %swap3A_309] : memref<128x8xf32, #tpu.memory_space<vmem>>, vector<128x8xf32>
      tpu.vector_store %arg9[%swap3A_308, %swap3A_309], %get3A_307 {strides = array<i32>} : memref<128x8xf32, #tpu.memory_space<vmem>>, vector<128x8xf32>,
    } else {
    }
    return
  }
  func.func @transform_0(%arg0: i32) -> (i32, i32) {
    %c0_i32 = arith.constant 0 : i32
    %c0_i32_0 = arith.constant 0 : i32
    return %c0_i32, %arg0 : i32, i32
  }
  func.func @transform_1(%arg0: i32) -> (i32, i32) {
    %c0_i32 = arith.constant 0 : i32
    %c0_i32_0 = arith.constant 0 : i32
    return %c0_i32, %arg0 : i32, i32
  }
  func.func @transform_2(%arg0: i32) -> (i32, i32) {
    %c0_i32 = arith.constant 0 : i32
    %c0_i32_0 = arith.constant 0 : i32
    return %c0_i32, %arg0 : i32, i32
  }
  func.func @transform_3(%arg0: i32) -> (i32, i32) {
    %c0_i32 = arith.constant 0 : i32
    %c0_i32_0 = arith.constant 0 : i32
    return %c0_i32, %arg0 : i32, i32
  }
  func.func @transform_4(%arg0: i32) -> (i32, i32) {
    %add3A = arith.constant 8 : i32
    %add3A_0 = arith.addi %arg0, %add3A : i32
    %c0_i32 = arith.constant 0 : i32
    %c0_i32_1 = arith.constant 0 : i32
    return %c0_i32, %add3A_0 : i32, i32
  }
  func.func @transform_5(%arg0: i32) -> (i32, i32) {
    %c0_i32 = arith.constant 0 : i32
    %c0_i32_0 = arith.constant 0 : i32
    %c0_i32_1 = arith.constant 0 : i32
    return %c0_i32, %c0_i32_0 : i32, i32
  }
  func.func @transform_6(%arg0: i32) -> (i32, i32) {
    %c0_i32 = arith.constant 0 : i32
    %c0_i32_0 = arith.constant 0 : i32
    %c0_i32_1 = arith.constant 0 : i32
    return %c0_i32, %c0_i32_0 : i32, i32
  }
  func.func @transform_7(%arg0: i32) -> (i32, i32) {
    %c0_i32 = arith.constant 0 : i32
    %c0_i32_0 = arith.constant 0 : i32
    %c0_i32_1 = arith.constant 0 : i32
    return %c0_i32, %c0_i32_0 : i32, i32
  }
  func.func @transform_8(%arg0: i32) -> (i32, i32) {
    %c0_i32 = arith.constant 0 : i32
    %c0_i32_0 = arith.constant 0 : i32
    %c0_i32_1 = arith.constant 0 : i32
    return %c0_i32, %c0_i32_0 : i32, i32
  }
}

module attributes {stable_mosaic.version = 14 : i64} {
  func.func @_combine_body(%arg0: memref<128x8xf32, #tpu.memory_space<vmem>>, %arg1: memref<128x8xf32, #tpu.memory_space<vmem>>, %arg2: memref<128x8xf32, #tpu.memory_space<vmem>>, %arg3: memref<128x16xf32, #tpu.memory_space<vmem>>, %arg4: memref<32x16xf32, #tpu.memory_space<vmem>>, %arg5: memref<128x8xf32, #tpu.memory_space<vmem>>, %arg6: memref<1x1xf32, #tpu.memory_space<vmem>>) attributes {dimension_semantics = [], scalar_prefetch = 0 : i64, scratch_operands = 0 : i64, tpu.core_type = #tpu.core_type<tc>} {
    %iota3A = tpu.iota {dimensions = array<i32: 1>} : vector<128x8xi32>
    %get3A = arith.constant 0 : index
    %get3A_0 = arith.constant 0 : index
    %get3A_1 = vector.load %arg0[%get3A, %get3A_0] : memref<128x8xf32, #tpu.memory_space<vmem>>, vector<128x8xf32>
    %get3A_2 = arith.constant 0 : index
    %get3A_3 = arith.constant 0 : index
    %get3A_4 = vector.load %arg1[%get3A_2, %get3A_3] : memref<128x8xf32, #tpu.memory_space<vmem>>, vector<128x8xf32>
    %get3A_5 = arith.constant 0 : index
    %get3A_6 = arith.constant 0 : index
    %get3A_7 = vector.load %arg2[%get3A_5, %get3A_6] : memref<128x8xf32, #tpu.memory_space<vmem>>, vector<128x8xf32>
    %get3A_8 = arith.constant 0 : index
    %get3A_9 = arith.constant 0 : index
    %get3A_10 = vector.load %arg3[%get3A_8, %get3A_9] : memref<128x16xf32, #tpu.memory_space<vmem>>, vector<128x16xf32>
    %slice3A = vector.extract_strided_slice %get3A_10 {offsets = [0, 8], sizes = [128, 1], strides = [1, 1]} : vector<128x16xf32> to vector<128x1xf32>
    %slice3A_11 = vector.extract_strided_slice %get3A_10 {offsets = [0, 9], sizes = [128, 1], strides = [1, 1]} : vector<128x16xf32> to vector<128x1xf32>
    %slice3A_12 = vector.extract_strided_slice %get3A_10 {offsets = [0, 10], sizes = [128, 1], strides = [1, 1]} : vector<128x16xf32> to vector<128x1xf32>
    %eq3A = arith.constant 4 : i32
    %eq3A_13 = vector.broadcast %eq3A : i32 to vector<128x8xi32>
    %eq3A_14 = arith.cmpi eq, %iota3A, %eq3A_13 : vector<128x8xi32>
    %max3A = vector.broadcast %slice3A_11 : vector<128x1xf32> to vector<128x8xf32>
    %max3A_15 = arith.maximumf %get3A_4, %max3A : vector<128x8xf32>
    %min3A = vector.broadcast %slice3A : vector<128x1xf32> to vector<128x8xf32>
    %min3A_16 = arith.minimumf %get3A_1, %min3A : vector<128x8xf32>
    %max3A_17 = arith.maximumf %max3A_15, %min3A_16 : vector<128x8xf32>
    %select_n3A = arith.select %eq3A_14, %max3A_17, %get3A_4 : vector<128x8xi1>, vector<128x8xf32>
    %max3A_18 = vector.broadcast %slice3A : vector<128x1xf32> to vector<128x8xf32>
    %max3A_19 = arith.maximumf %get3A_1, %max3A_18 : vector<128x8xf32>
    %select_n3A_20 = arith.select %eq3A_14, %max3A_19, %get3A_1 : vector<128x8xi1>, vector<128x8xf32>
    %add3A = vector.broadcast %slice3A_12 : vector<128x1xf32> to vector<128x8xf32>
    %add3A_21 = arith.addf %get3A_7, %add3A : vector<128x8xf32>
    %select_n3A_22 = arith.select %eq3A_14, %add3A_21, %get3A_7 : vector<128x8xi1>, vector<128x8xf32>
    %eq3A_23 = arith.cmpf oeq, %select_n3A_22, %select_n3A_20 : vector<128x8xf32>
    %sub3A = arith.subf %select_n3A_20, %select_n3A : vector<128x8xf32>
    %jit3A = arith.constant 0.000000e+00 : f32
    %broadcast_in_dim3A = vector.broadcast %jit3A : f32 to vector<128x8xf32>
    %select_n3A_24 = arith.select %eq3A_23, %sub3A, %broadcast_in_dim3A : vector<128x8xi1>, vector<128x8xf32>
    %lt3A = arith.constant 5 : i32
    %lt3A_25 = vector.broadcast %lt3A : i32 to vector<128x8xi32>
    %lt3A_26 = arith.cmpi slt, %iota3A, %lt3A_25 : vector<128x8xi32>
    %slice3A_27 = vector.extract_strided_slice %get3A_10 {offsets = [0, 0], sizes = [128, 8], strides = [1, 1]} : vector<128x16xf32> to vector<128x8xf32>
    %select_n3A_28 = arith.select %lt3A_26, %select_n3A_24, %slice3A_27 : vector<128x8xi1>, vector<128x8xf32>
    %reduce_max3A = arith.constant dense<0xFF800000> : vector<128xf32>
    %reduce_max3A_29 = vector.multi_reduction <maximumf>, %select_n3A_28, %reduce_max3A [1] : vector<128x8xf32> to vector<128xf32>
    %broadcast_in_dim3A_30 = vector.shape_cast %reduce_max3A_29 : vector<128xf32> to vector<128x1xf32>
    %sub3A_31 = vector.broadcast %broadcast_in_dim3A_30 : vector<128x1xf32> to vector<128x8xf32>
    %sub3A_32 = arith.subf %select_n3A_28, %sub3A_31 : vector<128x8xf32>
    %mul3A = arith.constant 5.000000e-01 : f32
    %mul3A_33 = vector.broadcast %mul3A : f32 to vector<128x8xf32>
    %mul3A_34 = arith.mulf %sub3A_32, %mul3A_33 : vector<128x8xf32>
    %exp3A = math.exp %mul3A_34 : vector<128x8xf32>
    %reduce_sum3A = arith.constant dense<0.000000e+00> : vector<128xf32>
    %reduce_sum3A_35 = vector.multi_reduction <add>, %exp3A, %reduce_sum3A [1] : vector<128x8xf32> to vector<128xf32>
    %broadcast_in_dim3A_36 = vector.shape_cast %reduce_sum3A_35 : vector<128xf32> to vector<128x1xf32>
    %div3A = vector.broadcast %broadcast_in_dim3A_36 : vector<128x1xf32> to vector<128x8xf32>
    %div3A_37 = arith.divf %exp3A, %div3A : vector<128x8xf32>
    %swap3A = arith.constant 0 : index
    %swap3A_38 = arith.constant 0 : index
    %swap3A_39 = vector.load %arg5[%swap3A, %swap3A_38] : memref<128x8xf32, #tpu.memory_space<vmem>>, vector<128x8xf32>
    tpu.vector_store %arg5[%swap3A, %swap3A_38], %div3A_37 {strides = array<i32>} : memref<128x8xf32, #tpu.memory_space<vmem>>, vector<128x8xf32>,
    %reduce_max3A_40 = vector.shape_cast %select_n3A_20 : vector<128x8xf32> to vector<1x128x8xf32>
    %reduce_max3A_41 = arith.constant dense<0xFF800000> : vector<1xf32>
    %reduce_max3A_42 = vector.multi_reduction <maximumf>, %reduce_max3A_40, %reduce_max3A_41 [1, 2] : vector<1x128x8xf32> to vector<1xf32>
    %reduce_max3A_43 = vector.shape_cast %reduce_max3A_42 : vector<1xf32> to vector<1x1x1xf32>
    %reduce_max3A_44 = vector.extract %reduce_max3A_43[0, 0, 0] : f32 from vector<1x1x1xf32>
    %get3A_45 = arith.constant 0 : index
    %get3A_46 = arith.constant 0 : index
    %get3A_47 = vector.load %arg4[%get3A_45, %get3A_46] : memref<32x16xf32, #tpu.memory_space<vmem>>, vector<32x16xf32>
    %reduce_max3A_48 = vector.shape_cast %get3A_47 : vector<32x16xf32> to vector<1x32x16xf32>
    %reduce_max3A_49 = arith.constant dense<0xFF800000> : vector<1xf32>
    %reduce_max3A_50 = vector.multi_reduction <maximumf>, %reduce_max3A_48, %reduce_max3A_49 [1, 2] : vector<1x32x16xf32> to vector<1xf32>
    %reduce_max3A_51 = vector.shape_cast %reduce_max3A_50 : vector<1xf32> to vector<1x1x1xf32>
    %reduce_max3A_52 = vector.extract %reduce_max3A_51[0, 0, 0] : f32 from vector<1x1x1xf32>
    %max3A_53 = arith.maximumf %reduce_max3A_44, %reduce_max3A_52 : f32
    %broadcast_in_dim3A_54 = vector.broadcast %max3A_53 : f32 to vector<1x1xf32>
    %swap3A_55 = arith.constant 0 : index
    %swap3A_56 = arith.constant 0 : index
    %swap3A_57 = vector.load %arg6[%swap3A_55, %swap3A_56] : memref<1x1xf32, #tpu.memory_space<vmem>>, vector<1x1xf32>
    tpu.vector_store %arg6[%swap3A_55, %swap3A_56], %broadcast_in_dim3A_54 {strides = array<i32>} : memref<1x1xf32, #tpu.memory_space<vmem>>, vector<1x1xf32>,
    return
  }
}

</mosaic_0001>

<sc_bundles>
// kernel: _run.5.cloned.1.call-start
scs
__scs_entry_jumppad:
0x0: {  	(pc) =	sbr.rel $0x88, $3  }
0x1: {  	(tag) =	ssettag $0x0;
	lr =	simm.s32 $0x1  }
0x2: {  	[smem:$0x3F98] =	sst lr;
	_ =	strace $0xD0000000  }
0x3: {  	_ = 	snop  }
0x4: {  	_ = 	snop  }
0x5: {  	_ = 	snop  }
0x6: {  	_ = 	snop  }
0x7: {  	_ = 	snop  }
__scs_overlays_trampoline_lowered:
0x8: {  	[smem:$0x3FA7] =	sst s0  }
0x9: {  	[smem:$0x3FA8] =	sst s1  }
0xa: {  	[smem:$0x3FA9] =	sst s2  }
0xb: {  	[smem:$0x3FAA] =	sst s3  }
0xc: {  	[smem:$0x3FAB] =	sst s4  }
0xd: {  	[smem:$0x3FAC] =	sst s5  }
0xe: {  	[smem:$0x3FAD] =	sst s6  }
0xf: {  	[smem:$0x3FAE] =	sst s7  }
0x10: {  	[smem:$0x3FAF] =	sst s8  }
0x11: {  	[smem:$0x3FB0] =	sst s9;
	s0 =	simm.s32 @!p0 $0x0  }
0x12: {  	s1 =	sld [smem:$0x3F96];
	s0 =	simm.s32 @p0 $0x1  }
0x13: {  	[smem:$0x3FB1] =	sst s0;
	s0 =	simm.s32 @!p1 $0x0  }
0x14: {  	s2 =	sld [smem:$0x3F95];
	s0 =	simm.s32 @p1 $0x1  }
0x15: {  	[smem:$0x3FB2] =	sst s0;
	s0 =	simm.s32 @!p2 $0x0  }
0x16: {  	s3 =	sld [smem:$0x3FDB];
	s0 =	simm.s32 @p2 $0x1  }
0x17: {  	s4 =	simm.s32 $0x1BF5;
	[smem:$0x3FB4] =	sst s0  }
0x18: {  	s0 =	sld [smem:$0x3F97];
	_ =	swait.ge [sflag:s4], $0x0  }
0x19: {  	s7 =	sld [smem:$0x3F98]  }
0x1a: {  	s8 =	sadd.s32 $0xFFFFE003, lr  }
0x1b: {  	s9 =	sadd.s32 $0xFFFFFEF7, lr;
	s5 =	simm.s32 $0xFFFFFFFF;
	p2 =	slt.u32 s8, $0xFFFFF086  }
0x1c: {  	p1 =	slt.u32 s9, $0xF7A;
	s5 =	simm.s32 @!p2 $0x0  }
0x1d: {  	s5 =	simm.s32 @p1 $0x1;
	p0 =	seq.s32 s7, s2  }
0x1e: {  	s7 =	smul.u32 @!p0 $0xF7A, s2;
	p2 =	seq.s32 @!p0 s5, $0x0  }
0x1f: {  	s9 =	smul.u32 $0xF7A, s1;
	s8 =	simm.s32 @!p0 $0x1BF5;
	p2 =	por !p2, p0  }
0x20: {  	[sflag:s8] =	ssyncset.s32 @!p0 $0xFFFFF086;
	s6 =	sadd.s32 @!p0 s3, s7;
	s7 =	simm.s32 @!p0 $0x108  }
0x21: {  	s3 =	sadd.s32 s3, s9;
	s6 =	sadd.s32 @!p0 $0x88, s6;
	s7 =	simm.s32 @p2 $0x1082  }
0x22: {  	[simem:s7], [sflag:s8] =	dma.local @!p0 [hbm:s6], $0xF7A  }
0x23: {  	s9 =	sor.u32 $0xD0000000, s2;
	s6 =	simm.s32 $0x108;
	_ =	swait.ge @!p0 [sflag:s8], $0x0  }
0x24: {  	s3 =	sadd.s32 $0x88, s3;
	s6 =	simm.s32 @!p1 $0x1082;
	[sflag:s4] =	ssyncset.s32 $0xFFFFF086  }
0x25: {  	[simem:s6], [sflag:s4] =	dma.local [hbm:s3], $0xF7A  }
0x26: {  	[smem:$0x3F98] =	sst s1;
	(tag) =	ssettag s2;
	_ =	strace s9  }
0x27: {  	s1 =	sld [smem:$0x3FA8]  }
0x28: {  	s2 =	sld [smem:$0x3FA9]  }
0x29: {  	s4 =	sld [smem:$0x3FAB]  }
0x2a: {  	p0 =	seq.s32 s5, $0x0;
	s5 =	sld [smem:$0x3FAC]  }
0x2b: {  	s6 =	sld [smem:$0x3FAD]  }
0x2c: {  	s7 =	sld [smem:$0x3FAE]  }
0x2d: {  	s3 =	simm.s32 $0x108;
	s8 =	sld [smem:$0x3FAF]  }
0x2e: {  	s3 =	simm.s32 @!p0 $0x1082;
	s9 =	sld [smem:$0x3FB0]  }
0x2f: {  	lr =	sadd.s32 s0, s3;
	s0 =	sld [smem:$0x3FA7]  }
0x30: {  	s3 =	sld [smem:$0x3FAA]  }
0x31: {  	[smem:$0x3FB3] =	sst s10  }
0x32: {  	s10 =	sld [smem:$0x3FB1];
	_ =	sdelay $0x3  }
0x33: {  	p0 =	seq.s32 s10, $0x1;
	s10 =	sld [smem:$0x3FB3];
	_ =	sdelay $0x3  }
0x34: {  	[smem:$0x3FB3] =	sst s10  }
0x35: {  	s10 =	sld [smem:$0x3FB2];
	_ =	sdelay $0x3  }
0x36: {  	p1 =	seq.s32 s10, $0x1;
	s10 =	sld [smem:$0x3FB3];
	_ =	sdelay $0x3  }
0x37: {  	[smem:$0x3FB3] =	sst s10  }
0x38: {  	s10 =	sld [smem:$0x3FB4]  }
0x39: {  	_ = 	snop;
	(pc) =	sbr.ind lr, $3  }
0x3a: {  	_ = 	snop  }
0x3b: {  	_ = 	snop  }
0x3c: {  	p2 =	seq.s32 s10, $0x1;
	s10 =	sld [smem:$0x3FB3]  }
0x3d: {  	_ =	shalt  }
0x3e: {  	_ =	shalt  }
0x3f: {  	_ =	shalt  }
0x40: {  	_ =	shalt  }
0x41: {  	_ =	shalt  }
0x42: {  	_ =	shalt  }
0x43: {  	_ =	shalt  }
0x44: {  	_ =	shalt  }
0x45: {  	_ =	shalt  }
0x46: {  	_ =	shalt  }
0x47: {  	_ =	shalt  }
0x48: {  	_ =	shalt  }
0x49: {  	_ =	shalt  }
0x4a: {  	_ =	shalt  }
0x4b: {  	_ =	shalt  }
0x4c: {  	_ =	shalt  }
0x4d: {  	_ =	shalt  }
0x4e: {  	_ =	shalt  }
0x4f: {  	_ =	shalt  }
0x50: {  	_ =	shalt  }
0x51: {  	_ =	shalt  }
0x52: {  	_ =	shalt  }
0x53: {  	_ =	shalt  }
0x54: {  	_ =	shalt  }
0x55: {  	_ =	shalt  }
0x56: {  	_ =	shalt  }
0x57: {  	_ =	shalt  }
0x58: {  	_ =	shalt  }
0x59: {  	_ =	shalt  }
0x5a: {  	_ =	shalt  }
0x5b: {  	_ =	shalt  }
0x5c: {  	_ =	shalt  }
0x5d: {  	_ =	shalt  }
0x5e: {  	_ =	shalt  }
0x5f: {  	_ =	shalt  }
0x60: {  	_ =	shalt  }
0x61: {  	_ =	shalt  }
0x62: {  	_ =	shalt  }
0x63: {  	_ =	shalt  }
0x64: {  	_ =	shalt  }
0x65: {  	_ =	shalt  }
0x66: {  	_ =	shalt  }
0x67: {  	_ =	shalt  }
0x68: {  	_ =	shalt  }
0x69: {  	_ =	shalt  }
0x6a: {  	_ =	shalt  }
0x6b: {  	_ =	shalt  }
0x6c: {  	_ =	shalt  }
0x6d: {  	_ =	shalt  }
0x6e: {  	_ =	shalt  }
0x6f: {  	_ =	shalt  }
0x70: {  	_ =	shalt  }
0x71: {  	_ =	shalt  }
0x72: {  	_ =	shalt  }
0x73: {  	_ =	shalt  }
0x74: {  	_ =	shalt  }
0x75: {  	_ =	shalt  }
0x76: {  	_ =	shalt  }
0x77: {  	_ =	shalt  }
0x78: {  	_ =	shalt  }
0x79: {  	_ =	shalt  }
0x7a: {  	_ =	shalt  }
0x7b: {  	_ =	shalt  }
0x7c: {  	_ =	shalt  }
0x7d: {  	_ =	shalt  }
0x7e: {  	_ =	shalt  }
0x7f: {  	_ =	shalt  }
0x80: {  	_ =	shalt  }
0x81: {  	_ =	shalt  }
0x82: {  	_ =	shalt  }
0x83: {  	_ =	shalt  }
0x84: {  	_ =	shalt  }
0x85: {  	_ =	shalt  }
0x86: {  	_ =	shalt  }
0x87: {  	_ =	shalt  }
.Lfunc_end0:
.L_simem_size_0:
called_computation_lowered:
.L_overlay_start_0:
0x88: {  	s2 =	sld [smem:$0x3FD9]  }
0x89: {  	s3 =	sld [smem:$0x3FFE];
	_ =	sdelay $0x1  }
0x8a: {  	s1 =	srdreg.scid  }
0x8b: {  	s0 =	sand.u32 $0x1, s1  }
0x8c: {  	s17 =	sshll.u32 s0, $0xA;
	s2 =	sadd.s32 s3, s2  }
0x8d: {  	s2 =	sadd.s32 s2, s17  }
0x8e: {  	[smem:$0x3FBF] =	sst s2  }
0x8f: {  	_ = 	snop  }
0x90: {  	s2 =	sld [smem:$0x3FC5]  }
0x91: {  	s18 =	sld [smem:$0x3FC4]  }
0x92: {  	s4 =	sld [smem:$0x3FC3]  }
0x93: {  	s5 =	sld [smem:$0x3FC2]  }
0x94: {  	s6 =	sld [smem:$0x3FC1];
	(tm) =	ssettm $0x1  }
0x95: {  	s7 =	sld [smem:$0x3FFB];
	_ =	sdelay $0x3  }
0x96: {  	_ =	strace s7  }
0x97: {  	s7 =	sld [smem:$0x3FFC];
	_ =	sdelay $0x3  }
0x98: {  	_ =	strace s7  }
0x99: {  	s7 =	sld [smem:$0x3FFD];
	_ =	sdelay $0x3  }
0x9a: {  	_ =	strace s7  }
0x9b: {  	_ =	strace $0x8FFFFFFF  }
0x9c: {  	s19 =	sld [smem:$0x3FDB];
	_ =	sdelay $0x1  }
0x9d: {  	s8 =	simm.s32 $_scs_section_size  }
0x9e: {  	s9 =	simm.s32 $_size__tile_overlayer_lowered;
	s10 =	simm.s32 $_tile_overlayer_lowered  }
0x9f: {  	s22 =	simm.s32 $0x1BFF;
	s21 =	sshll.u32 s10, $0x1;
	s7 =	sadd.s32 s8, s19  }
0xa0: {  	s11 =	simm.s32 $0x0;
	s20 =	sshll.u32 s9, $0x1;
	s9 =	sadd.s32 s21, s7  }
0xa1: {  	[timem:s11], [sflag:s22] =	dma.local [hbm:s9], s20  }
0xa2: {  	_ =	swait.ge [sflag:s22], s20  }
0xa3: {  	s8 =	ssub.s32 $0x0, s20;
	[sflag:s22] =	ssyncset.done $0x0  }
0xa4: {  	[sflag:s22] =	ssyncadd.s32 s8;
	_ =	sdelay $0x1  }
0xa5: {  	s23 =	simm.s32 $0x1B8B  }
0xa6: {  	_ =	swait.ge [sflag:s23], $0x1  }
0xa7: {  	[sflag:s23] =	ssyncset.done $0x0  }
0xa8: {  	s25 =	simm.s32 $0x1B8E;
	s24 =	sld [smem:$0x3FFE];
	[sflag:s23] =	ssyncadd.s32 $0xFFFFFFFF  }
0xa9: {  	s26 =	simm.s32 $execute0_lowered;
	[smem:$0x3FD2] =	sst s25  }
0xaa: {  	s9 =	sshll.u32 s26, $0x1;
	_ =	strace $0x80000046;
	[dreg:$0x1] =	wrdreg $0xFFFFFFFF  }
0xab: {  	s28 =	simm.s32 $_size_execute0_lowered;
	s7 =	sadd.s32 s7, s9;
	[dreg:$0x0] =	wrdreg $0x0  }
0xac: {  	s9 =	sshll.u32 s28, $0x1;
	[dreg:$0x2] =	wrdreg s7  }
0xad: {  	[dreg:$0x3] =	wrdreg s9  }
0xae: {  	[dreg:$0x4] =	wrdreg $0xC0  }
0xaf: {  	_ =	task [dreg:s11], $0x5FFFF  }
0xb0: {  	[dreg:$0x1] =	wrdreg $0xFFFFFFFF  }
0xb1: {  	[dreg:$0x0] =	wrdreg $0x60  }
0xb2: {  	[dreg:$0x2] =	wrdreg s2  }
0xb3: {  	[dreg:$0x3] =	wrdreg s18  }
0xb4: {  	[dreg:$0x4] =	wrdreg s4  }
0xb5: {  	[dreg:$0x5] =	wrdreg s5  }
0xb6: {  	[dreg:$0x6] =	wrdreg s6  }
0xb7: {  	[dreg:$0x7] =	wrdreg s24  }
0xb8: {  	[dreg:$0x8] =	wrdreg $0x9  }
0xb9: {  	_ =	task.clear_ibuf [dreg:s11], $0x9FFFF;
	_ =	strace $0x90000046  }
0xba: {  	s29 =	simm.s32 $0x9;
	_ =	strace $0x80000048  }
0xbb: {  	_ =	swait.ge [sflag:s29], $0x1  }
0xbc: {  	[sflag:s29] =	ssyncadd.s32 $0xFFFFFFFF  }
0xbd: {  	_ =	strace $0x90000048  }
0xbe: {  	_ =	sfence  }
0xbf: {  	s30 =	sld [smem:$0x0];
	_ =	sdelay $0x2  }
0xc0: {  	s31 =	sshll.u32 s1, $0xD;
	s1 =	sshrl.u32 s1, $0x2  }
0xc1: {  	s3 =	sand.u32 $0x4000, s31;
	s1 =	sadd.s32 s1, s30  }
0xc2: {  	s0 =	sor.u32 s3, s0;
	s1 =	sshll.u32 s1, $0x11  }
0xc3: {  	s0 =	sor.u32 s1, s0  }
0xc4: {  	s0 =	sadd.s32 $0x8F2B, s0  }
0xc5: {  	[sflag:s0] =	ssyncadd.remote.s32 $0x1  }
0xc6: {  	_ =	sfence.sel $0xFFFF  }
0xc7: {  	[dreg:$0x0] =	wrdreg $0xFFFFFFFF;
	(pc) =	sbr.abs _section_cstart, $3  }
0xc8: {  	[dreg:$0x1] =	wrdreg $0xFFFFFFFF  }
0xc9: {  	_ =	task.clear_ibuf [dreg:s11], $0x2FFFF;
	_ =	strace $0x9FFFFFFF  }
0xca: {  	(tm) =	ssettm $0x7FFFFFFF  }
0xcb: {  	_ =	shalt  }
tec
execute0_lowered:
.L_overlay_start_1:
0x0: {  	(tag) =	ssettag $0x1  }
0x1: {  	s15 =	rddreg [dreg:$0x0]  }
0x2: {  	s4 =	rddreg [dreg:$0x1]  }
0x3: {  	s20 =	rddreg [dreg:$0x2]  }
0x4: {  	s16 =	rddreg [dreg:$0x3]  }
0x5: {  	s0 =	rddreg [dreg:$0x5];
	s7 =	simm.s32 $0x0;
	s1 =	srdreg.scid  }
0x6: {  	s6 =	stileid.u32;
	s17 =	simm.s32 $0x2;
	s18 =	simm.s32 $0x1  }
0x7: {  	s19 =	simm.s32 $0x10080;
	[smem:$0x7FF] =	sst s7;
	s1 =	sand.u32 $0x1, s1  }
0x8: {  	s2 =	sshll.u32 s6, $0x1;
	s8 =	sadd.s32 $0x1400, s0;
	s29 =	sshll.u32 s6, $0xF  }
0x9: {  	s11 =	sshll.u32 s6, $0x12;
	s13 =	sshll.u32 s6, $0xA;
	_ =	strace $0x80000047  }
0xa: {  	s2 =	sor.u32 s1, s2;
	s5 =	ssub.s32 $0x2, s1;
	s1 =	sshll.u32 s1, $0x6  }
0xb: {  	s3 =	sshll.u32 s2, $0x4;
	s28 =	sshrl.u32 s5, $0x1;
	s9 =	sshll.u32 s2, $0x2  }
0xc: {  	s1 =	sadd.s32 s4, s1;
	s0 =	sadd.s32 s3, s0;
	s30 =	sor.u32 $0x1, s9  }
0xd: {  	s3 =	ssub.s32 s5, s28;
	[dreg:$0x7] =	wrdreg s30;
	s0 =	sadd.s32 $0x1C00, s0  }
0xe: {  	vm0 =	vcmask $0x132C;
	vm1 =	vcmask $0x172C;
	s4 =	simm.s32 $0x10000;
	s31 =	smax.u32 s3, $0x1;
	[dreg:$0x8] =	wrdreg s0  }
0xf: {  	vm2 =	vcmask $0x1B2C;
	vm3 =	vcmask $0x2320;
	vm4 =	vcmask $0x272C;
	s10 =	sadd.s32 s29, s1;
	s1 =	simm.s32 $0x0;
	[dreg:$0x9] =	wrdreg s31  }
.LBB2_1:
0x10: {  	[dreg:$0xa] =	wrdreg s1  }
0x11: {  	s0 =	rddreg [dreg:$0x4]  }
0x12: {  	[tilespmem:s4], [sflag:$0x2] =	stream.linear.gather [hbm4b:s0+s7], $0x80, $0x38;
	[tilespmem:$0x10100] =	vst v63  }
0x13: {  	_ =	swait.ge [sflag:s17], $0x80  }
0x14: {  	[sflag:s17] =	ssyncset.done $0x0  }
0x15: {  	s1 =	simm.s32 $0x0;
	s0 =	simm.s32 $0x0;
	[sflag:s17] =	ssyncadd.s32 $0xFFFFFF80  }
.LBB2_2:
0x16: {  	p0 =	sne.s32 s1, $0x7F80  }
.Ltmp0:
0x17: {  	_ = 	snop;
	(pc) =	sbr.rel @p0 .LBB2_2-.Ltmp0, $4  }
0x18: {  	_ = 	snop  }
0x19: {  	s2 =	sadd.s32 s1, s10;
	s21 =	simm.s32 $0x0  }
0x1a: {  	[tilespmem:s0], [sflag:$0x1] =	stream.linear.gather [hbm4b:s2+s21], $0x80, $0x38;
	[tilespmem:$0x10100] =	vst v63  }
0x1b: {  	s1 =	sadd.s32 $0x80, s1;
	s0 =	sadd.s32 $0x100, s0  }
0x1c: {  	v0 =	vimm.f32 $-3.000000010e+38  }
.LBB2_4:
0x1d: {  	s0 =	sor.u32 s9, s21  }
0x1e: {  	v63 =	vmov s0;
	s0 =	sshll.u32 s0, $0x7  }
0x1f: {  	s22 =	sand.u32 $0x380, s0  }
0x20: {  	s0 =	sor.u32 s11, s22  }
0x21: {  	s23 =	sshrl.u32 s0, $0x3  }
0x22: {  	s5 =	simm.s32 $0x80;
	s0 =	sadd.s32 s20, s23  }
0x23: {  	[tilespmem:$0x1FFF0] =	vst v0;
	s6 =	simm.s32 $0x80;
	s2 =	simm.s32 $0x180;
	v48 =	vld.idx.msk [tilespmem:v63+s4+$0x0], $0xffff;
	s1 =	sadd.s32 $0x0, s0  }
.LBB2_5:
0x24: {  	[tilespmem:s5], [sflag:$0x1] =	stream.linear.gather [hbm4b:s1+s7], $0x80, $0x38;
	[tilespmem:$0x10100] =	vst v63  }
0x25: {  	s1 =	smov.u32 s6;
	s5 =	smov.u32 s2;
	p0 =	sne.s32 s6, $0x7F80  }
.Ltmp1:
0x26: {  	s6 =	sadd.s32 $0x80, s6;
	(pc) =	sbr.rel @p0 .LBB2_5-.Ltmp1, $2  }
0x27: {  	_ =	sdelay $0x2  }
0x28: {  	s2 =	sadd.s32 $0x100, s2;
	s1 =	sadd.s32 s1, s0  }
0x29: {  	[tilespmem:s5], [sflag:$0x1] =	stream.linear.gather [hbm4b:s1+s7], $0x80, $0x38;
	[tilespmem:$0x10100] =	vst v63  }
0x2a: {  	_ =	swait.ge [sflag:s18], $0x8000  }
0x2b: {  	[sflag:s18] =	ssyncset.done $0x0  }
0x2c: {  	s0 =	simm.s32 $0x0;
	[sflag:s18] =	ssyncadd.s32 $0xFFFF8000  }
0x2d: {  	v9 =	vld [tilespmem:s0+$0x70]  }
0x2e: {  	v0 =	vld [tilespmem:s0+$0x0]  }
0x2f: {  	v3 =	vimm.f32 $-3.000000010e+38;
	v1 =	vld [tilespmem:s0+$0x10]  }
0x30: {  	v17 =	vimm.f32 $-3.000000010e+38;
	v8 =	vimm.f32 $-3.000000010e+38;
	v30 =	vimm.f32 $-3.000000010e+38  }
0x31: {  	v23 =	vimm.f32 $-3.000000010e+38;
	v24 =	vimm.f32 $-3.000000010e+38;
	v26 =	vimm.f32 $-3.000000010e+38;
	v31 =	vld [tilespmem:s0+$0x20]  }
0x32: {  	v27 =	vimm.f32 $-3.000000010e+38;
	v10 =	vimm.f32 $-3.000000010e+38;
	v28 =	vimm.f32 $-3.000000010e+38;
	v32 =	vld [tilespmem:s0+$0x30]  }
0x33: {  	v29 =	vimm.f32 $-3.000000010e+38;
	v33 =	vld [tilespmem:s0+$0x40];
	v2 =	vmin.f32 v3, v9;
	v5 =	vmax.f32 v3, v0  }
0x34: {  	v34 =	vld [tilespmem:s0+$0x50];
	v0 =	vmin.f32 v3, v0;
	v7 =	vmax.f32 v3, v1;
	v1 =	vmin.f32 v3, v1  }
0x35: {  	s24 =	simm.s32 $0x100;
	s25 =	simm.s32 $0x800;
	v35 =	vld [tilespmem:s0+$0x60];
	v6 =	vmax.f32 v3, v2;
	v4 =	vmax.f32 v3, v0;
	v0 =	vimm.f32 $-3.000000010e+38  }
.LBB2_7:
0x36: {  	p0 =	sne.s32 s25, $0x3FC00;
	v2 =	vld [tilespmem:s24+$0x70];
	v3 =	vmax.f32 v3, v1;
	v1 =	vmin.f32 v17, v31;
	v17 =	vmax.f32 v17, v31  }
0x37: {  	v11 =	vld [tilespmem:s24+$0x0];
	v8 =	vmax.f32 v8, v1;
	v1 =	vmin.f32 v30, v32;
	v30 =	vmax.f32 v30, v32  }
0x38: {  	v12 =	vld [tilespmem:s24+$0x10];
	v23 =	vmax.f32 v23, v1;
	v1 =	vmin.f32 v24, v33;
	v24 =	vmax.f32 v24, v33  }
.Ltmp2:
0x39: {  	v31 =	vld [tilespmem:s24+$0x20];
	v26 =	vmax.f32 v26, v1;
	v1 =	vmin.f32 v27, v34;
	v27 =	vmax.f32 v27, v34;
	(pc) =	sbr.rel @p0 .LBB2_7-.Ltmp2, $4  }
0x3a: {  	v10 =	vmax.f32 v10, v9;
	v32 =	vld [tilespmem:s24+$0x30];
	v13 =	vmin.f32 v0, v35;
	v0 =	vmax.f32 v0, v35  }
0x3b: {  	v28 =	vmax.f32 v28, v1;
	v33 =	vld [tilespmem:s24+$0x40];
	v14 =	vmin.f32 v10, v2;
	v29 =	vmax.f32 v29, v13;
	v9 =	vmovc v2  }
0x3c: {  	v1 =	vmin.f32 v5, v11;
	v5 =	vmax.f32 v5, v11;
	v34 =	vld [tilespmem:s24+$0x50];
	v6 =	vmax.f32 v6, v14  }
0x3d: {  	v4 =	vmax.f32 v4, v1;
	v1 =	vmin.f32 v7, v12;
	v7 =	vmax.f32 v7, v12;
	v35 =	vld [tilespmem:s24+$0x60];
	s24 =	sshra.s32 s25, $0x2;
	s25 =	sadd.s32 $0x400, s25  }
0x3e: {  	v2 =	vld [tilespmem:s24+$0x0]  }
0x3f: {  	v36 =	vld [tilespmem:s24+$0x10]  }
0x40: {  	v37 =	vld [tilespmem:s24+$0x20]  }
0x41: {  	v38 =	vld [tilespmem:s24+$0x30]  }
0x42: {  	v39 =	vld [tilespmem:s24+$0x40]  }
0x43: {  	v40 =	vld [tilespmem:s24+$0x50]  }
0x44: {  	v41 =	vmax.f32 v17, v31;
	v42 =	vld [tilespmem:s24+$0x60];
	v22 =	vmax.f32 v5, v2;
	v25 =	vmax.f32 v7, v36  }
0x45: {  	v43 =	vld [tilespmem:s24+$0x70];
	v44 =	vmax.f32 v30, v32;
	v20 =	vmax.f32 v41, v37;
	v21 =	vmax.f32 v22, v25  }
0x46: {  	v45 =	vmax.f32 v24, v33;
	v18 =	vmax.f32 v44, v38;
	v19 =	vmax.f32 v21, v20  }
0x47: {  	v46 =	vmax.f32 v27, v34;
	v15 =	vmax.f32 v45, v39;
	v16 =	vmax.f32 v19, v18  }
0x48: {  	v47 =	vmax.f32 v0, v35;
	v13 =	vmax.f32 v46, v40;
	v14 =	vmax.f32 v16, v15  }
0x49: {  	v9 =	vmax.f32 v10, v9;
	v62 =	vmax.f32 v47, v42;
	v11 =	vmax.f32 v14, v13  }
0x4a: {  	v1 =	vmax.f32 v3, v1;
	v3 =	vmax.f32 v9, v43;
	v10 =	vmax.f32 v11, v62  }
0x4b: {  	v17 =	vmin.f32 v17, v31;
	v63 =	vmin.f32 v30, v32;
	[tilespmem:$0x1FF10] =	vst v3;
	v3 =	vmax.f32 v10, v3  }
0x4c: {  	v8 =	vmax.f32 v8, v17;
	v17 =	vmax.f32 v23, v63;
	v23 =	vmin.f32 v24, v33;
	(xrf0) =	vmax.scan.msk.f32 $0xffff, v3  }
0x4d: {  	vm5 =	vlt.s32 v48, $0x7FFF;
	v23 =	vmax.f32 v26, v23  }
0x4e: {  	v24 =	vmin.f32 v27, v34;
	v26 =	vnsel vm5, $0x7FFF, v48;
	v9 =	vmin.f32 v9, v43  }
0x4f: {  	v2 =	vmin.f32 v5, v2;
	v5 =	vand.u32 $0x7F, v26;
	[tilespmem:$0x1FEF0] =	vst v62;
	v6 =	vmax.f32 v6, v9  }
0x50: {  	v27 =	vshll.u32 v26, $0x1;
	v7 =	vmin.f32 v7, v36;
	v2 =	vmax.f32 v4, v2;
	[tilespmem:$0x1FF30] =	vst v6  }
0x51: {  	v26 =	vand.u32 $0xFFFFFF00, v27;
	v1 =	vmax.f32 v1, v7;
	[tilespmem:$0x1FF40] =	vst v2  }
0x52: {  	v0 =	vmin.f32 v0, v35;
	v6 =	vor.u32 v5, v26;
	[tilespmem:$0x1FF50] =	vst v1;
	v1 =	vmin.f32 v41, v37;
	v5, _, _ =	vpop (xrf0)  }
0x53: {  	v2 =	vmin.f32 v44, v38;
	v1 =	vmax.f32 v8, v1;
	[tilespmem:$0x1FF60] =	vst v5;
	v5 =	vbroadcast v5, $0xF  }
0x54: {  	v0 =	vmax.f32 v29, v0;
	[tilespmem:$0x1FF70] =	vst v1;
	v1 =	vmax.f32 v17, v2;
	v2 =	vmin.f32 v47, v42  }
0x55: {  	[tilespmem:$0x1FF80] =	vst v1;
	v0 =	vmax.f32 v0, v2;
	vm5 =	veq.f32 v3, v5  }
0x56: {  	[tilespmem:$0x1FFC0] =	vst v0;
	v0 =	vmpcnt.ones.xlane vm5  }
0x57: {  	s0 =	simm.s32 $0x0;
	v4 =	vmin.f32 v45, v39;
	[tilespmem:$0x1FF00] =	vst v11  }
0x58: {  	v1 =	vmax.f32 v23, v4;
	[tilespmem:$0x1FFD0] =	vst v0;
	v0 =	vld.idx.msk [tilespmem:v6+s0+$0x0], $0xffff  }
0x59: {  	v24 =	vmax.f32 v28, v24;
	[tilespmem:$0x1FF90] =	vst v1;
	v1 =	vmin.f32 v46, v40  }
0x5a: {  	[tilespmem:$0x1FF20] =	vst v10;
	v1 =	vmax.f32 v24, v1  }
0x5b: {  	[tilespmem:$0x1FFB0] =	vst v1  }
0x5c: {  	s5 =	sadd.s32 s16, s23;
	[tilespmem:$0x1FFA0] =	vst v5  }
0x5d: {  	s6 =	simm.s32 $0x80;
	s2 =	simm.s32 $0x100;
	s1 =	sadd.s32 $0x0, s5;
	[tilespmem:$0x1FFE0] =	vst v0  }
.LBB2_9:
0x5e: {  	[tilespmem:s0], [sflag:$0x1] =	stream.linear.gather [hbm4b:s1+s7], $0x80, $0x38;
	[tilespmem:$0x10100] =	vst v63  }
0x5f: {  	s1 =	smov.u32 s6;
	s0 =	smov.u32 s2;
	p0 =	sne.s32 s6, $0x7F80  }
.Ltmp3:
0x60: {  	s6 =	sadd.s32 $0x80, s6;
	(pc) =	sbr.rel @p0 .LBB2_9-.Ltmp3, $2  }
0x61: {  	_ =	sdelay $0x2  }
0x62: {  	s2 =	sadd.s32 $0x100, s2;
	s1 =	sadd.s32 s1, s5  }
0x63: {  	[tilespmem:$0x1FEE0] =	vst v48  }
0x64: {  	[tilespmem:s0], [sflag:$0x1] =	stream.linear.gather [hbm4b:s1+s7], $0x80, $0x38;
	[tilespmem:$0x10100] =	vst v63  }
0x65: {  	_ =	swait.ge [sflag:s18], $0x8000  }
0x66: {  	[sflag:s18] =	ssyncset.done $0x0  }
0x67: {  	s31 =	simm.s32 $0x0;
	[sflag:s18] =	ssyncadd.s32 $0xFFFF8000  }
0x68: {  	v8 =	vld [tilespmem:s31+$0xF0]  }
0x69: {  	v0 =	vld [tilespmem:s31+$0x80]  }
0x6a: {  	v43 =	vimm.f32 $-3.000000010e+38;
	v1 =	vld [tilespmem:s31+$0x90]  }
0x6b: {  	v52 =	vimm.f32 $-3.000000010e+38;
	v51 =	vimm.f32 $-3.000000010e+38;
	v53 =	vimm.f32 $-3.000000010e+38  }
0x6c: {  	v57 =	vimm.f32 $-3.000000010e+38;
	v54 =	vimm.f32 $-3.000000010e+38;
	v55 =	vimm.f32 $-3.000000010e+38;
	v60 =	vld [tilespmem:s31+$0xA0]  }
0x6d: {  	v56 =	vimm.f32 $-3.000000010e+38;
	v5 =	vimm.f32 $-3.000000010e+38;
	v58 =	vimm.f32 $-3.000000010e+38;
	v61 =	vld [tilespmem:s31+$0xB0]  }
0x6e: {  	v59 =	vimm.f32 $-3.000000010e+38;
	v62 =	vld [tilespmem:s31+$0xC0];
	v2 =	vmin.f32 v43, v8;
	v17 =	vmax.f32 v43, v0  }
0x6f: {  	v63 =	vld [tilespmem:s31+$0xD0];
	v0 =	vmin.f32 v43, v0;
	v50 =	vmax.f32 v43, v1;
	v1 =	vmin.f32 v43, v1  }
0x70: {  	s24 =	simm.s32 $0x100;
	s25 =	simm.s32 $0x800;
	v23 =	vld [tilespmem:s31+$0xE0];
	v34 =	vmax.f32 v43, v2;
	v26 =	vmax.f32 v43, v0;
	v0 =	vimm.f32 $-3.000000010e+38  }
.LBB2_11:
0x71: {  	p0 =	sne.s32 s25, $0x3FC00;
	v2 =	vld [tilespmem:s24+$0xF0];
	v43 =	vmax.f32 v43, v1;
	v1 =	vmin.f32 v52, v60;
	v52 =	vmax.f32 v52, v60  }
0x72: {  	v4 =	vld [tilespmem:s24+$0x80];
	v51 =	vmax.f32 v51, v1;
	v1 =	vmin.f32 v0, v61;
	v0 =	vmax.f32 v0, v61  }
0x73: {  	v7 =	vld [tilespmem:s24+$0x90];
	v53 =	vmax.f32 v53, v1;
	v1 =	vmin.f32 v57, v62;
	v57 =	vmax.f32 v57, v62  }
.Ltmp4:
0x74: {  	v60 =	vld [tilespmem:s24+$0xA0];
	v54 =	vmax.f32 v54, v1;
	v1 =	vmin.f32 v55, v63;
	v55 =	vmax.f32 v55, v63;
	(pc) =	sbr.rel @p0 .LBB2_11-.Ltmp4, $4  }
0x75: {  	v5 =	vmax.f32 v5, v8;
	v61 =	vld [tilespmem:s24+$0xB0];
	v9 =	vmin.f32 v56, v23;
	v56 =	vmax.f32 v56, v23  }
0x76: {  	v58 =	vmax.f32 v58, v1;
	v62 =	vld [tilespmem:s24+$0xC0];
	v23 =	vmin.f32 v5, v2;
	v59 =	vmax.f32 v59, v9;
	v8 =	vmovc v2  }
0x77: {  	v1 =	vmin.f32 v17, v4;
	v17 =	vmax.f32 v17, v4;
	v63 =	vld [tilespmem:s24+$0xD0];
	v34 =	vmax.f32 v34, v23  }
0x78: {  	v26 =	vmax.f32 v26, v1;
	v1 =	vmin.f32 v50, v7;
	v50 =	vmax.f32 v50, v7;
	v23 =	vld [tilespmem:s24+$0xE0];
	s24 =	sshra.s32 s25, $0x2;
	s25 =	sadd.s32 $0x400, s25  }
0x79: {  	v2 =	vld [tilespmem:s24+$0x80]  }
0x7a: {  	v4 =	vld [tilespmem:s24+$0x90]  }
0x7b: {  	v7 =	vld [tilespmem:s24+$0xA0]  }
0x7c: {  	v9 =	vld [tilespmem:s24+$0xB0]  }
0x7d: {  	v24 =	vld [tilespmem:s24+$0xC0]  }
0x7e: {  	v27 =	vld [tilespmem:s24+$0xD0]  }
0x7f: {  	v28 =	vmax.f32 v52, v60;
	v29 =	vld [tilespmem:s24+$0xE0];
	v48 =	vmax.f32 v17, v2;
	v49 =	vmax.f32 v50, v4  }
0x80: {  	v30 =	vld [tilespmem:s24+$0xF0];
	v31 =	vmax.f32 v0, v61;
	v46 =	vmax.f32 v28, v7;
	v47 =	vmax.f32 v48, v49  }
0x81: {  	v32 =	vmax.f32 v57, v62;
	v44 =	vmax.f32 v31, v9;
	v45 =	vmax.f32 v47, v46  }
0x82: {  	v33 =	vmax.f32 v55, v63;
	v41 =	vmax.f32 v32, v24;
	v42 =	vmax.f32 v45, v44  }
0x83: {  	v10 =	vmax.f32 v56, v23;
	v39 =	vmax.f32 v33, v27;
	v40 =	vmax.f32 v42, v41  }
0x84: {  	v5 =	vmax.f32 v5, v8;
	v37 =	vmax.f32 v10, v29;
	v38 =	vmax.f32 v40, v39  }
0x85: {  	v35 =	vmax.f32 v5, v30;
	v36 =	vmax.f32 v38, v37  }
0x86: {  	v1 =	vmax.f32 v43, v1;
	v5 =	vmin.f32 v5, v30;
	v8 =	vmax.f32 v36, v35  }
0x87: {  	v60 =	vmin.f32 v52, v60;
	v43 =	vmax.f32 v34, v5;
	v5 =	vor.u32 $0x80, v6;
	(xrf0) =	vmax.scan.msk.f32 $0xffff, v8  }
0x88: {  	v0 =	vmin.f32 v0, v61;
	v51 =	vmax.f32 v51, v60  }
0x89: {  	v62 =	vmin.f32 v57, v62;
	v0 =	vmax.f32 v53, v0;
	v2 =	vmin.f32 v17, v2  }
0x8a: {  	v63 =	vmin.f32 v55, v63;
	v60 =	vmax.f32 v26, v2;
	v2 =	vmin.f32 v31, v9  }
0x8b: {  	s1 =	simm.s32 $0x0;
	v30 =	vmax.f32 v58, v63;
	v57 =	vmax.f32 v0, v2;
	v0 =	vmin.f32 v33, v27  }
0x8c: {  	v53 =	vmax.f32 v30, v0;
	v0 =	vld.idx.msk [tilespmem:v5+s1+$0x0], $0xffff  }
0x8d: {  	v52 =	vmax.f32 v54, v62;
	v23 =	vmin.f32 v56, v23;
	v34, _, _ =	vpop (xrf0)  }
0x8e: {  	v23 =	vmax.f32 v59, v23;
	v4 =	vmin.f32 v50, v4;
	v17 =	vbroadcast v34, $0xF  }
0x8f: {  	v61 =	vmax.f32 v1, v4;
	v1 =	vmin.f32 v28, v7;
	v4 =	vmin.f32 v32, v24  }
0x90: {  	s0 =	sadd.s32 s15, s23;
	s5 =	simm.s32 $0x80;
	v59 =	vmax.f32 v51, v1;
	v1 =	vmin.f32 v10, v29;
	vm6 =	veq.f32 v8, v17  }
0x91: {  	s6 =	simm.s32 $0x80;
	s2 =	simm.s32 $0x180;
	v54 =	vmax.f32 v52, v4;
	v51 =	vmax.f32 v23, v1;
	s1 =	sadd.s32 $0x0, s0;
	[tilespmem:$0x1FED0] =	vst v0;
	v50 =	vmpcnt.ones.xlane vm6  }
.LBB2_13:
0x92: {  	[tilespmem:s5], [sflag:$0x1] =	stream.linear.gather [hbm4b:s1+s7], $0x80, $0x38;
	[tilespmem:$0x10100] =	vst v63  }
0x93: {  	s1 =	smov.u32 s6;
	s5 =	smov.u32 s2;
	p0 =	sne.s32 s6, $0x3F80  }
.Ltmp5:
0x94: {  	s6 =	sadd.s32 $0x80, s6;
	(pc) =	sbr.rel @p0 .LBB2_13-.Ltmp5, $2  }
0x95: {  	_ =	sdelay $0x2  }
0x96: {  	s2 =	sadd.s32 $0x100, s2;
	s1 =	sadd.s32 s1, s0  }
0x97: {  	[tilespmem:s5], [sflag:$0x1] =	stream.linear.gather [hbm4b:s1+s7], $0x80, $0x38;
	[tilespmem:$0x10100] =	vst v63  }
0x98: {  	_ =	swait.ge [sflag:s18], $0x8000  }
0x99: {  	[sflag:s18] =	ssyncset.done $0x0  }
0x9a: {  	s0 =	simm.s32 $0x0;
	[sflag:s18] =	ssyncadd.s32 $0xFFFF8000  }
0x9b: {  	v1 =	vld [tilespmem:s0+$0x0];
	_ =	sdelay $0x1  }
0x9c: {  	v0 =	vld [tilespmem:s0+$0x70]  }
0x9d: {  	v23 =	vimm.f32 $-3.000000010e+38;
	v2 =	vld [tilespmem:s0+$0x10]  }
0x9e: {  	v28 =	vimm.f32 $-3.000000010e+38;
	v29 =	vimm.f32 $-3.000000010e+38;
	v30 =	vimm.f32 $-3.000000010e+38  }
0x9f: {  	v27 =	vimm.f32 $-3.000000010e+38;
	v32 =	vld [tilespmem:s0+$0x20];
	v56 =	vmax.f32 v23, v1;
	v1 =	vmin.f32 v23, v1  }
0xa0: {  	v26 =	vimm.f32 $-3.000000010e+38;
	v5 =	vimm.f32 $-3.000000010e+38;
	v55 =	vmax.f32 v23, v1;
	v1 =	vld [tilespmem:s0+$0x30]  }
0xa1: {  	v24 =	vimm.f32 $-3.000000010e+38;
	v63 =	vimm.f32 $-3.000000010e+38;
	v62 =	vimm.f32 $-3.000000010e+38;
	v31 =	vld [tilespmem:s0+$0x40]  }
0xa2: {  	v33 =	vld [tilespmem:s0+$0x50];
	v4 =	vmin.f32 v23, v0;
	v58 =	vmax.f32 v23, v2;
	v9 =	vmin.f32 v23, v2  }
0xa3: {  	s23 =	simm.s32 $0x100;
	s24 =	simm.s32 $0x800;
	v7 =	vld [tilespmem:s0+$0x60];
	v2 =	vimm.f32 $-3.000000010e+38;
	v52 =	vmax.f32 v23, v4;
	v4 =	vimm.f32 $-3.000000010e+38  }
.LBB2_15:
0xa4: {  	p0 =	sne.s32 s24, $0x3FC00;
	v10 =	vld [tilespmem:s23+$0x70];
	v23 =	vmax.f32 v23, v9;
	v9 =	vmin.f32 v28, v32;
	v28 =	vmax.f32 v28, v32  }
0xa5: {  	v11 =	vld [tilespmem:s23+$0x0];
	v29 =	vmax.f32 v29, v9;
	v9 =	vmin.f32 v30, v1;
	v30 =	vmax.f32 v30, v1  }
0xa6: {  	v12 =	vld [tilespmem:s23+$0x10];
	v27 =	vmax.f32 v27, v9;
	v1 =	vmin.f32 v4, v31;
	v4 =	vmax.f32 v4, v31  }
.Ltmp6:
0xa7: {  	v32 =	vld [tilespmem:s23+$0x20];
	v2 =	vmax.f32 v2, v1;
	v9 =	vmin.f32 v26, v33;
	v26 =	vmax.f32 v26, v33;
	(pc) =	sbr.rel @p0 .LBB2_15-.Ltmp6, $4  }
0xa8: {  	v24 =	vmax.f32 v24, v0;
	v1 =	vld [tilespmem:s23+$0x30];
	v33 =	vmin.f32 v5, v7;
	v5 =	vmax.f32 v5, v7  }
0xa9: {  	v63 =	vmax.f32 v63, v9;
	v31 =	vld [tilespmem:s23+$0x40];
	v7 =	vmin.f32 v24, v10;
	v62 =	vmax.f32 v62, v33;
	v0 =	vmovc v10  }
0xaa: {  	v9 =	vmin.f32 v56, v11;
	v56 =	vmax.f32 v56, v11;
	v33 =	vld [tilespmem:s23+$0x50];
	v52 =	vmax.f32 v52, v7  }
0xab: {  	v55 =	vmax.f32 v55, v9;
	v9 =	vmin.f32 v58, v12;
	v58 =	vmax.f32 v58, v12;
	v7 =	vld [tilespmem:s23+$0x60];
	s23 =	sshra.s32 s24, $0x2;
	s24 =	sadd.s32 $0x400, s24  }
0xac: {  	v9 =	vmax.f32 v23, v9;
	v23 =	vld [tilespmem:$0x1FF40]  }
0xad: {  	v10 =	vmin.f32 v28, v32;
	v11 =	vmax.f32 v28, v32;
	v32 =	vld [tilespmem:$0x1FF50];
	_ =	sdelay $0x4  }
0xae: {  	v22 =	vmin.f32 v22, v25;
	v20 =	vmin.f32 v21, v20;
	v23 =	vmax.f32 v23, v32;
	v32 =	vld [tilespmem:$0x1FF70]  }
0xaf: {  	v18 =	vmin.f32 v19, v18;
	v0 =	vmax.f32 v24, v0;
	v13 =	vmin.f32 v14, v13;
	v14 =	vld [tilespmem:s23+$0x10]  }
0xb0: {  	v10 =	vmax.f32 v29, v10;
	v12 =	vmax.f32 v30, v1;
	v1 =	vmin.f32 v30, v1;
	v29 =	vld [tilespmem:$0x1FF80]  }
0xb1: {  	v24 =	vld [tilespmem:s23+$0x40];
	v37 =	vmin.f32 v38, v37;
	v35 =	vmin.f32 v36, v35;
	v1 =	vmax.f32 v27, v1  }
0xb2: {  	v19 =	vmax.f32 v5, v7;
	v5 =	vmin.f32 v5, v7;
	v7 =	vld [tilespmem:$0x1FF90];
	v22 =	vmax.f32 v23, v22  }
0xb3: {  	v30 =	vld [tilespmem:$0x1FFB0];
	v23 =	vmax.f32 v4, v31;
	v4 =	vmin.f32 v4, v31;
	v22 =	vmax.f32 v22, v32  }
0xb4: {  	v31 =	vmin.f32 v47, v46;
	v46 =	vld [tilespmem:$0x1FF00];
	v2 =	vmax.f32 v2, v4;
	v4 =	vmax.f32 v22, v20  }
0xb5: {  	v28 =	vmin.f32 v26, v33;
	v20 =	vmax.f32 v26, v33;
	v33 =	vld [tilespmem:$0x1FEF0];
	v4 =	vmax.f32 v4, v29  }
0xb6: {  	v21 =	vmax.f32 v63, v28;
	v47 =	vmin.f32 v45, v44;
	v32 =	vld [tilespmem:$0x1FFC0];
	v4 =	vmax.f32 v4, v18  }
0xb7: {  	v44 =	vmax.f32 v23, v24;
	v18 =	vld [tilespmem:s23+$0x0];
	v4 =	vmax.f32 v4, v7;
	v7 =	vmin.f32 v16, v15  }
0xb8: {  	v15 =	vld [tilespmem:s23+$0x70];
	v16 =	vmin.f32 v48, v49;
	v4 =	vmax.f32 v4, v7;
	v7 =	vmax.f32 v60, v61  }
0xb9: {  	v48 =	vld [tilespmem:$0x1FF30];
	v60 =	vmax.f32 v58, v14;
	v14 =	vmin.f32 v58, v14;
	v7 =	vmax.f32 v7, v16  }
0xba: {  	v49 =	vld [tilespmem:$0x1FF10];
	v4 =	vmax.f32 v4, v30;
	v22 =	vmin.f32 v46, v33;
	v7 =	vmax.f32 v7, v59  }
0xbb: {  	v16 =	vld [tilespmem:s23+$0x20];
	v9 =	vmax.f32 v9, v14;
	v4 =	vmax.f32 v4, v13;
	v7 =	vmax.f32 v7, v31  }
0xbc: {  	v59 =	vmin.f32 v42, v41;
	v4 =	vmax.f32 v4, v32;
	v7 =	vmax.f32 v7, v57;
	v57 =	vld [tilespmem:$0x1FF20]  }
0xbd: {  	v46 =	vld [tilespmem:$0x1FFD0];
	v42 =	vmin.f32 v40, v39;
	v27 =	vmax.f32 v56, v18;
	v4 =	vmax.f32 v4, v22  }
0xbe: {  	v26 =	vmin.f32 v0, v15;
	v0 =	vmax.f32 v0, v15;
	v15 =	vmin.f32 v56, v18  }
0xbf: {  	v13 =	vld [tilespmem:s23+$0x30];
	v4 =	vmax.f32 v4, v48;
	v7 =	vmax.f32 v7, v47;
	v47 =	vmax.f32 v27, v60  }
0xc0: {  	v22 =	vld [tilespmem:s23+$0x50];
	v48 =	vsel vm5, $0xFF61B1E6, v3;
	v15 =	vmax.f32 v55, v15;
	v7 =	vmax.f32 v7, v54  }
0xc1: {  	v61 =	vmax.f32 v11, v16;
	v7 =	vmax.f32 v7, v59;
	v25 =	vmin.f32 v57, v49  }
0xc2: {  	v33 =	vxor.u32 $0x80000000, v46;
	v7 =	vmax.f32 v7, v53;
	v4 =	vmax.f32 v4, v25;
	v25 =	vld [tilespmem:s23+$0x60]  }
0xc3: {  	v11 =	vmin.f32 v11, v16;
	v9 =	vmax.f32 v15, v9;
	v7 =	vmax.f32 v7, v42  }
0xc4: {  	v63 =	vmax.f32 v12, v13;
	(xrf0) =	vmax.scan.msk.u32 $0xffff, v33;
	v49 =	vmax.f32 v47, v61;
	v7 =	vmax.f32 v7, v51  }
0xc5: {  	(xrf0) =	vmax.scan.msk.f32 $0xffff, v48;
	v45 =	vmax.f32 v20, v22;
	v53 =	vmax.f32 v49, v63;
	v7 =	vmax.f32 v7, v37  }
0xc6: {  	(xrf0) =	vmax.scan.msk.f32 $0xffff, v4;
	v54 =	vmax.f32 v53, v44;
	v4 =	vmax.f32 v7, v43;
	v7 =	vxor.u32 $0x80000000, v50  }
0xc7: {  	v57 =	vmax.f32 v54, v45;
	(xrf0) =	vmax.scan.msk.u32 $0xffff, v7;
	v7 =	vsel vm6, $0xFF61B1E6, v8;
	v51 =	vmax.f32 v19, v25  }
0xc8: {  	v15 =	vmin.f32 v27, v60;
	v4 =	vmax.f32 v4, v35;
	(xrf0) =	vmax.scan.msk.f32 $0xffff, v7;
	v7 =	vmax.f32 v57, v51  }
0xc9: {  	v10 =	vmax.f32 v10, v11;
	v9 =	vmax.f32 v9, v15;
	(xrf0) =	vmax.scan.msk.f32 $0xffff, v4;
	v4 =	vmax.f32 v7, v0  }
0xca: {  	v12 =	vmin.f32 v12, v13;
	v9 =	vmax.f32 v9, v10;
	v10 =	vmin.f32 v47, v61;
	v59, _, _ =	vpop (xrf0);
	(xrf0) =	vmax.scan.msk.f32 $0xffff, v4  }
0xcb: {  	v1 =	vmax.f32 v1, v12;
	v9 =	vmax.f32 v9, v10;
	v16, _, _ =	vpop (xrf0)  }
0xcc: {  	v61 =	vmin.f32 v23, v24;
	v1 =	vmax.f32 v9, v1;
	v9 =	vmin.f32 v49, v63;
	v11, _, _ =	vpop (xrf0)  }
0xcd: {  	v2 =	vmax.f32 v2, v61;
	v1 =	vmax.f32 v1, v9;
	v60, _, _ =	vpop (xrf0)  }
0xce: {  	v15 =	vmin.f32 v20, v22;
	v1 =	vmax.f32 v1, v2;
	v2 =	vmin.f32 v53, v44;
	v10, _, _ =	vpop (xrf0)  }
0xcf: {  	v5 =	vmax.f32 v62, v5;
	v15 =	vmax.f32 v21, v15;
	v1 =	vmax.f32 v1, v2;
	v62, _, _ =	vpop (xrf0)  }
0xd0: {  	v1 =	vmax.f32 v1, v15;
	v15 =	vld [tilespmem:$0x1FF60];
	v63, _, _ =	vpop (xrf0)  }
0xd1: {  	v9 =	vbroadcast v63, $0xF  }
0xd2: {  	v2 =	vmin.f32 v54, v45;
	v19 =	vmin.f32 v19, v25  }
0xd3: {  	v1 =	vmax.f32 v1, v2;
	v5 =	vmax.f32 v5, v19;
	vm5 =	veq.f32 v4, v9  }
0xd4: {  	v18 =	vmax.f32 v52, v26;
	v1 =	vmax.f32 v1, v5;
	v2 =	vmpcnt.ones.xlane vm5  }
0xd5: {  	v5 =	vmin.f32 v57, v51;
	v0 =	vmin.f32 v7, v0;
	(v2sf) =	vpush v15, $0xF  }
0xd6: {  	v1 =	vmax.f32 v1, v5;
	(v2sf) =	vpush v59, $0xF;
	v2 =	vxor.u32 $0x80000000, v2  }
0xd7: {  	v1 =	vmax.f32 v1, v18;
	(v2sf) =	vpush v16, $0xF;
	(xrf0) =	vmax.scan.msk.u32 $0xffff, v2;
	v2 =	vsel vm5, $0xFF61B1E6, v4  }
0xd8: {  	v0 =	vmax.f32 v1, v0;
	(v2sf) =	vpush v11, $0xF;
	(xrf0) =	vmax.scan.msk.f32 $0xffff, v2  }
0xd9: {  	(v2sf) =	vpush v34, $0xF;
	(xrf0) =	vmax.scan.msk.f32 $0xffff, v0  }
0xda: {  	(v2sf) =	vpush v60, $0xF  }
0xdb: {  	(v2sf) =	vpush v10, $0xF  }
0xdc: {  	(v2sf) =	vpush v62, $0xF  }
0xdd: {  	(v2sf) =	vpush v63, $0xF;
	v0, _, _ =	vpop (xrf0)  }
0xde: {  	(v2sf) =	vpush v0, $0xF;
	v0, _, _ =	vpop (xrf0)  }
0xdf: {  	(v2sf) =	vpush v0, $0xF;
	v0, _, _ =	vpop (xrf0)  }
0xe0: {  	(v2sf) =	vpush v0, $0xF;
	_ =	sdelay $0x3  }
0xe1: {  	s25 =	spop (v2sf)  }
0xe2: {  	s28 =	spop (v2sf)  }
0xe3: {  	s30 =	spop (v2sf)  }
0xe4: {  	s6 =	spop (v2sf)  }
0xe5: {  	s23 =	spop (v2sf)  }
0xe6: {  	s29 =	spop (v2sf)  }
0xe7: {  	p0 =	seq.s32 s21, $0x3;
	s31 =	spop (v2sf)  }
.Ltmp7:
0xe8: {  	s5 =	spop (v2sf);
	(pc) =	sbr.rel @p0 .LBB2_20-.Ltmp7, $4  }
0xe9: {  	s24 =	spop (v2sf)  }
0xea: {  	s26 =	spop (v2sf)  }
0xeb: {  	v43 =	vld [tilespmem:$0x1FEE0];
	s0 =	spop (v2sf)  }
0xec: {  	v0 =	vld.idx.msk [tilespmem:v6+s7+$0x0], $0xffff;
	s14 =	spop (v2sf)  }
0xed: {  	s1 =	rddreg [dreg:$0x7]  }
0xee: {  	s1 =	sadd.s32 s21, s1  }
0xef: {  	s2 =	sshll.u32 s1, $0x4  }
0xf0: {  	s3 =	rddreg [dreg:$0x1];
	s1 =	sshll.u32 s1, $0xC;
	s2 =	sand.u32 $0x70, s2  }
0xf1: {  	s12 =	smov.u32 s20;
	s1 =	sand.u32 $0xFFF8000, s1;
	s2 =	sadd.s32 s3, s2  }
0xf2: {  	s4 =	smov.u32 s15;
	s20 =	simm.s32 $0x0;
	s15 =	sadd.s32 s1, s2  }
0xf3: {  	s2 =	simm.s32 $0x80;
	s1 =	simm.s32 $0x100;
	s3 =	sadd.s32 $0x0, s15  }
.LBB2_18:
0xf4: {  	[tilespmem:s20], [sflag:$0x1] =	stream.linear.gather [hbm4b:s3+s7], $0x80, $0x38;
	[tilespmem:$0x10100] =	vst v63  }
0xf5: {  	s3 =	smov.u32 s2;
	s20 =	smov.u32 s1;
	p0 =	sne.s32 s2, $0x7F80  }
.Ltmp8:
0xf6: {  	s2 =	sadd.s32 $0x80, s2;
	(pc) =	sbr.rel @p0 .LBB2_18-.Ltmp8, $2  }
0xf7: {  	_ =	sdelay $0x2  }
0xf8: {  	s1 =	sadd.s32 $0x100, s1;
	s3 =	sadd.s32 s3, s15  }
0xf9: {  	[tilespmem:s20], [sflag:$0x1] =	stream.linear.gather [hbm4b:s3+s7], $0x80, $0x38;
	[tilespmem:$0x10100] =	vst v63  }
0xfa: {  	s15 =	smov.u32 s4;
	s20 =	smov.u32 s12;
	s4 =	simm.s32 $0x10000  }
.LBB2_20:
0xfb: {  	_ =	swait.ge [sflag:s18], $0x4000  }
0xfc: {  	v1 =	vld [tilespmem:$0x1FFA0]  }
0xfd: {  	v2 =	vld [tilespmem:$0x1FFE0];
	_ =	sdelay $0x3  }
0xfe: {  	s1 =	smax.f32 s30, s6;
	[sflag:s18] =	ssyncset.done $0x0;
	v6 =	vld [tilespmem:$0x1FFF0]  }
0xff: {  	p0 =	sgt.u32 s28, $0x80000001;
	s3 =	simm.s32 $0x0;
	[sflag:s18] =	ssyncadd.s32 $0xFFFFC000;
	vm5 =	veq.f32 v2, v1;
	v2 =	vld [tilespmem:$0x1FED0]  }
0x100: {  	s2 =	smax.f32 s31, s5;
	v14 =	vimm.f32 $-3.000000010e+38;
	v21 =	vimm.f32 $-3.000000010e+38;
	s1 =	smov.u32 @p0 s25;
	p0 =	sgt.u32 s29, $0x80000001;
	v4 =	vld [tilespmem:s3+$0x80]  }
0x101: {  	v18 =	vimm.f32 $-3.000000010e+38;
	v19 =	vimm.f32 $-3.000000010e+38;
	v20 =	vimm.f32 $-3.000000010e+38;
	s1 =	ssub.f32 s25, s1;
	s2 =	smov.u32 @p0 s23  }
0x102: {  	s0 =	smax.f32 s0, s14;
	v15 =	vimm.f32 $-3.000000010e+38;
	v13 =	vimm.f32 $-3.000000010e+38;
	v11 =	vimm.f32 $-3.000000010e+38;
	p0 =	sgt.u32 s26, $0x80000001;
	s31 =	ssub.f32 s23, s2  }
0x103: {  	v12 =	vimm.f32 $-3.000000010e+38;
	s0 =	smov.u32 @p0 s24;
	v5 =	vld [tilespmem:s3+$0xF0];
	v1 =	vmov s1;
	v3 =	vmax.f32 v6, v3  }
0x104: {  	v10 =	vld [tilespmem:s3+$0x90];
	s0 =	ssub.f32 s24, s0;
	v1 =	vnsel vm5, $0x0, v1;
	vm5 =	veq.f32 v2, v17;
	v2 =	vmov s31  }
0x105: {  	v1 =	vsel vm0, $0x0, v1;
	v6 =	vmax.f32 v14, v4;
	v2 =	vnsel vm5, $0x0, v2  }
0x106: {  	v23 =	vld [tilespmem:s3+$0xA0];
	vm5 =	veq.f32 v0, v9;
	v0 =	vmov s0;
	v9 =	vimm.f32 $-3.000000010e+38  }
0x107: {  	v24 =	vld [tilespmem:s3+$0xB0];
	v1 =	vsel vm1, v1, v2;
	v0 =	vnsel vm5, $0x0, v0;
	v2 =	vmax.f32 v3, v8  }
0x108: {  	v22 =	vld [tilespmem:s3+$0xC0];
	v3 =	vsel vm2, v1, v0;
	v0 =	vmin.f32 v14, v5;
	v1 =	vmin.f32 v14, v4  }
0x109: {  	v16 =	vld [tilespmem:s3+$0xD0];
	v8 =	vmax.f32 v14, v10;
	v4 =	vmax.f32 v14, v0;
	v7 =	vmax.f32 v14, v1  }
0x10a: {  	s23 =	simm.s32 $0x100;
	s24 =	simm.s32 $0x800;
	v17 =	vld [tilespmem:s3+$0xE0];
	v1 =	vmin.f32 v14, v10;
	v0 =	vimm.f32 $-3.000000010e+38;
	v10 =	vimm.f32 $-3.000000010e+38  }
.LBB2_21:
0x10b: {  	p0 =	sne.s32 s24, $0x1FC00;
	v25 =	vld [tilespmem:s23+$0xF0];
	v14 =	vmax.f32 v14, v1;
	v1 =	vmin.f32 v21, v23;
	v21 =	vmax.f32 v21, v23  }
0x10c: {  	v26 =	vld [tilespmem:s23+$0x80];
	v18 =	vmax.f32 v18, v1;
	v1 =	vmin.f32 v19, v24;
	v19 =	vmax.f32 v19, v24  }
0x10d: {  	v27 =	vld [tilespmem:s23+$0x90];
	v20 =	vmax.f32 v20, v1;
	v1 =	vmin.f32 v15, v22;
	v15 =	vmax.f32 v15, v22  }
.Ltmp9:
0x10e: {  	v23 =	vld [tilespmem:s23+$0xA0];
	v13 =	vmax.f32 v13, v1;
	v1 =	vmin.f32 v11, v16;
	v11 =	vmax.f32 v11, v16;
	(pc) =	sbr.rel @p0 .LBB2_21-.Ltmp9, $4  }
0x10f: {  	v12 =	vmax.f32 v12, v5;
	v24 =	vld [tilespmem:s23+$0xB0];
	v16 =	vmin.f32 v0, v17;
	v0 =	vmax.f32 v0, v17  }
0x110: {  	v10 =	vmax.f32 v10, v1;
	v22 =	vld [tilespmem:s23+$0xC0];
	v17 =	vmin.f32 v12, v25;
	v9 =	vmax.f32 v9, v16;
	v5 =	vmovc v25  }
0x111: {  	v1 =	vmin.f32 v6, v26;
	v6 =	vmax.f32 v6, v26;
	v16 =	vld [tilespmem:s23+$0xD0];
	v4 =	vmax.f32 v4, v17  }
0x112: {  	v7 =	vmax.f32 v7, v1;
	v1 =	vmin.f32 v8, v27;
	v8 =	vmax.f32 v8, v27;
	v17 =	vld [tilespmem:s23+$0xE0];
	s23 =	sshra.s32 s24, $0x2;
	s24 =	sadd.s32 $0x400, s24  }
0x113: {  	v25 =	vld [tilespmem:s23+$0x80]  }
0x114: {  	v26 =	vld [tilespmem:s23+$0x90]  }
0x115: {  	v27 =	vld [tilespmem:s23+$0xA0]  }
0x116: {  	v1 =	vmax.f32 v14, v1;
	v53 =	vld [tilespmem:s23+$0xB0]  }
0x117: {  	v28 =	vmax.f32 v21, v23;
	v54 =	vmin.f32 v21, v23;
	v29 =	vld [tilespmem:s23+$0xC0];
	v5 =	vmax.f32 v12, v5  }
0x118: {  	v57 =	vld [tilespmem:s23+$0xD0];
	v55 =	vmin.f32 v19, v24;
	v18 =	vmax.f32 v18, v54;
	v56 =	vmax.f32 v19, v24  }
0x119: {  	v31 =	vld [tilespmem:s23+$0xE0];
	v20 =	vmax.f32 v20, v55;
	v59 =	vmax.f32 v6, v25;
	v30 =	vmax.f32 v8, v26  }
0x11a: {  	v32 =	vld [tilespmem:s23+$0xF0];
	v58 =	vmax.f32 v15, v22;
	v61 =	vmax.f32 v28, v27;
	v33 =	vmax.f32 v59, v30  }
0x11b: {  	v60 =	vmin.f32 v15, v22;
	v62 =	vmax.f32 v56, v53;
	v34 =	vmax.f32 v33, v61  }
0x11c: {  	v35 =	vmax.f32 v11, v16;
	v36 =	vmax.f32 v58, v29;
	v37 =	vmax.f32 v34, v62  }
0x11d: {  	v38 =	vmax.f32 v0, v17;
	v39 =	vmax.f32 v35, v57;
	v40 =	vmax.f32 v37, v36  }
0x11e: {  	v13 =	vmax.f32 v13, v60;
	v12 =	vmax.f32 v38, v31;
	v41 =	vmax.f32 v40, v39  }
0x11f: {  	v63 =	vmin.f32 v11, v16;
	v45 =	vmax.f32 v5, v32;
	v42 =	vmax.f32 v41, v12  }
0x120: {  	v46 =	vmin.f32 v6, v25;
	v47 =	vmin.f32 v8, v26;
	v48 =	vmax.f32 v42, v45  }
0x121: {  	v0 =	vmin.f32 v0, v17;
	v6 =	vmax.f32 v7, v46;
	v1 =	vmax.f32 v1, v47;
	(xrf0) =	vmax.scan.msk.f32 $0xffff, v48  }
0x122: {  	v49 =	vmin.f32 v28, v27;
	v50 =	vmin.f32 v59, v30;
	v1 =	vmax.f32 v6, v1  }
0x123: {  	v51 =	vmax.f32 v10, v63;
	v7 =	vmax.f32 v18, v49;
	v1 =	vmax.f32 v1, v50  }
0x124: {  	v52 =	vmin.f32 v56, v53;
	v53 =	vmin.f32 v33, v61;
	v1 =	vmax.f32 v1, v7  }
0x125: {  	v0 =	vmax.f32 v9, v0;
	v6 =	vmax.f32 v20, v52;
	v1 =	vmax.f32 v1, v53  }
0x126: {  	v54 =	vmin.f32 v58, v29;
	v55 =	vmin.f32 v34, v62;
	v1 =	vmax.f32 v1, v6  }
0x127: {  	v56 =	vmin.f32 v35, v57;
	v7 =	vmax.f32 v13, v54;
	v1 =	vmax.f32 v1, v55;
	v57, _, _ =	vpop (xrf0)  }
0x128: {  	v58 =	vmin.f32 v37, v36;
	v1 =	vmax.f32 v1, v7;
	v59 =	vbroadcast v57, $0xF  }
0x129: {  	v60 =	vmin.f32 v38, v31;
	v8 =	vmax.f32 v51, v56;
	v1 =	vmax.f32 v1, v58  }
0x12a: {  	v61 =	vmin.f32 v40, v39;
	v1 =	vmax.f32 v1, v8;
	vm5 =	veq.f32 v48, v59  }
0x12b: {  	v0 =	vmax.f32 v0, v60;
	v1 =	vmax.f32 v1, v61;
	v62 =	vmpcnt.ones.xlane vm5  }
0x12c: {  	v5 =	vmin.f32 v5, v32;
	v0 =	vmax.f32 v1, v0;
	v1 =	vmin.f32 v41, v12  }
0x12d: {  	v4 =	vmax.f32 v4, v5;
	v0 =	vmax.f32 v0, v1;
	v1 =	vxor.u32 $0x80000000, v62  }
0x12e: {  	v63 =	vmin.f32 v42, v45;
	v0 =	vmax.f32 v0, v4;
	(xrf0) =	vmax.scan.msk.u32 $0xffff, v1;
	v1 =	vsel vm5, $0xFF61B1E6, v48  }
0x12f: {  	v0 =	vmax.f32 v0, v63;
	(xrf0) =	vmax.scan.msk.f32 $0xffff, v1  }
0x130: {  	(xrf0) =	vmax.scan.msk.f32 $0xffff, v0;
	_ =	sdelay $0x3  }
0x131: {  	(v2sf) =	vpush v57, $0xF;
	v0, _, _ =	vpop (xrf0)  }
0x132: {  	v1, _, _ =	vpop (xrf0);
	(v2sf) =	vpush v0, $0xF  }
0x133: {  	(v2sf) =	vpush v1, $0xF;
	v0, _, _ =	vpop (xrf0)  }
0x134: {  	(v2sf) =	vpush v0, $0xF;
	_ =	sdelay $0x2  }
0x135: {  	vm5 =	vlt.s32 v43, $0x3FFF  }
0x136: {  	v0 =	vnsel vm5, $0x3FFF, v43  }
0x137: {  	v1 =	vshll.u32 v0, $0x1  }
0x138: {  	v0 =	vand.u32 $0x7F, v0;
	v1 =	vand.u32 $0xFFFFFF00, v1  }
0x139: {  	v0 =	vor.u32 v1, v0  }
0x13a: {  	v0 =	vor.u32 $0x80, v0;
	_ =	sdelay $0x3  }
0x13b: {  	s0 =	spop (v2sf)  }
0x13c: {  	v0 =	vld.idx.msk [tilespmem:v0+s7+$0x0], $0xffff;
	s1 =	spop (v2sf)  }
0x13d: {  	s2 =	spop (v2sf)  }
0x13e: {  	s3 =	spop (v2sf)  }
0x13f: {  	v1 =	vsel vm3, v59, v3;
	v3 =	vlaneseq.u32;
	p0 =	sgt.u32 s1, $0x80000001;
	s2 =	smax.f32 s2, s3  }
0x140: {  	vm5 =	vlt.s32 v43, $0x4000;
	vm6 =	veq.s32 v3, $0x9;
	s2 =	smov.u32 @p0 s0  }
0x141: {  	s31 =	sor.u32 s13, s22;
	s21 =	sadd.s32 $0x1, s21;
	v0 =	vnsel vm5, $0x0, v0;
	v1 =	vsel vm6, s2, v1  }
0x142: {  	s0 =	sshrl.u32 s31, $0x3;
	p0 =	sne.s32 s21, $0x4;
	v0 =	vsel vm4, v1, v0  }
.Ltmp10:
0x143: {  	s0 =	sadd.s32 s8, s0;
	[tilespmem:$0x10080] =	vst v0;
	(pc) =	sbr.rel @p0 .LBB2_4-.Ltmp10, $4  }
0x144: {  	[hbm4b:s0+s7] =	stream.linear.scatter [tilespmem:s19], [sflag:$0x2], $0x80, $0x38;
	[tilespmem:$0x10100] =	vst v63  }
0x145: {  	_ =	swait.ge [sflag:s17], $0x80  }
0x146: {  	[sflag:s17] =	ssyncset.done $0x0  }
0x147: {  	v0 =	vmax.f32 v2, v48;
	[sflag:s17] =	ssyncadd.s32 $0xFFFFFF80  }
0x148: {  	[tilespmem:$0x10080] =	vst v0;
	s0 =	rddreg [dreg:$0x8]  }
0x149: {  	[hbm4b:s0+s7] =	stream.linear.scatter [tilespmem:s19], [sflag:$0x2], $0x80, $0x38;
	[tilespmem:$0x10100] =	vst v63  }
0x14a: {  	_ =	swait.ge [sflag:s17], $0x80  }
0x14b: {  	s1 =	rddreg [dreg:$0xa]  }
0x14c: {  	s31 =	rddreg [dreg:$0x9];
	s1 =	sadd.s32 $0x1, s1  }
0x14d: {  	p0 =	sne.s32 s1, s31  }
.Ltmp11:
0x14e: {  	_ = 	snop;
	(pc) =	sbr.rel @p0 .LBB2_1-.Ltmp11, $3  }
0x14f: {  	_ =	sdelay $0x1  }
0x150: {  	[sflag:s17] =	ssyncset.done $0x0  }
0x151: {  	[sflag:s17] =	ssyncadd.s32 $0xFFFFFF80  }
0x152: {  	_ =	sfence.sel $0x180000  }
0x153: {  	[bflag:$0x0] =	sbarrier.arrive $0xFFFF  }
0x154: {  	_ =	strace $0x90000047  }
0x155: {  	s0 =	stileid.u32;
	[bflag:$0x2] =	sbarrier.arrive $0xFFFF  }
0x156: {  	p0 =	sne.s32 s0, $0x0;
	s0 =	rddreg [dreg:$0x6]  }
0x157: {  	s0 =	sadd.s32 @!p0 $0x100000, s0  }
0x158: {  	[sflag:s0] =	ssyncadd.tile.s32 @!p0 $0x1;
	_ =	shalt  }
.Lfunc_end2:
_tile_overlayer_lowered:
.L_overlay_start_2:
0x159: {  	(tag) =	ssettag $0x2  }
0x15a: {  	s0 =	rddreg [dreg:$0x0];
	s2 =	stileid.u32  }
0x15b: {  	s1 =	rddreg [dreg:$0x1];
	p0 =	sne.s32 s2, $0x0  }
0x15c: {  	s3 =	rddreg [dreg:$0x2];
	[bflag:$0x3] =	sbarrier.arrive $0xFFFF;
	s2 =	simm.s32 @!p0 $0x1C02  }
0x15d: {  	[timem:s3], [sflag:s2] =	dma.local @!p0 [hbm:s0], s1  }
0x15e: {  	s0 =	simm.s32 @!p0 $0x2  }
0x15f: {  	_ =	swait.ge @!p0 [sflag:s0], s1  }
0x160: {  	s1 =	ssub.s32 @!p0 $0x0, s1;
	[sflag:s0] =	ssyncset.done @!p0 $0x0  }
0x161: {  	[sflag:s0] =	ssyncadd.s32 @!p0 s1  }
0x162: {  	[bflag:$0x3] =	sbarrier.arrive $0xFFFF  }
0x163: {  	_ =	shalt  }

</sc_bundles>
